<compile_context>
chip_gen: v7x
topology: tpu7x:2x2x1
jax: 0.10.2.dev20260603
libtpu: 0.0.44.dev20260713+nightly
codegen_flags: <defaults>
</compile_context>

<pallas_src>
import functools
import jax
import jax.numpy as jnp
from jax import lax
from jax.experimental import pallas as pl
from jax.experimental.pallas import tpu as pltpu
from jax.experimental.pallas import tpu_sc as plsc

E = 8
D = 1024
T = 2048
K = 256
KS = 512
NT = T // K
NTS = T // KS
NU = NTS + E - 1
NG = NU + NTS
NC = 2
NS = 16
NW = NC * NS
RPW = T // NW



def _routing_kernel(x_ref, wg_ref, perm_ref, gate_ref, xb_ref, tm_ref,
                    em_ref, fm_ref, fe_ref, off9_ref):
    x = x_ref[...]
    xbf = x.astype(jnp.bfloat16)
    lo = lax.convert_element_type(
        lax.bitcast_convert_type(xbf[:, :D // 2], jnp.uint16), jnp.uint32)
    hi = lax.convert_element_type(
        lax.bitcast_convert_type(xbf[:, D // 2:], jnp.uint16), jnp.uint32)
    xb_ref[...] = lax.bitcast_convert_type(lo | (hi << 16), jnp.int32)
    logits = jnp.dot(x, wg_ref[...].T, preferred_element_type=jnp.float32)
    m = jnp.max(logits, axis=1, keepdims=True)
    p = jnp.exp(logits - m)
    gates = p / jnp.sum(p, axis=1, keepdims=True)
    a_idx = jnp.argmax(gates, axis=1, keepdims=True).astype(jnp.int32)
    gmax = jnp.max(gates, axis=1, keepdims=True)
    gate_ref[...] = gmax

    iota_e = lax.broadcasted_iota(jnp.int32, (1, E), 1)
    oh = (a_idx == iota_e).astype(jnp.float32)

    r = lax.broadcasted_iota(jnp.int32, (K, K), 0)
    c = lax.broadcasted_iota(jnp.int32, (K, K), 1)
    tril = (c < r).astype(jnp.float32)
    blocks = []
    sums = []
    for b in range(NT):
        ob = oh[b * K:(b + 1) * K, :]
        blocks.append(jnp.dot(tril, ob, preferred_element_type=jnp.float32))
        sums.append(jnp.sum(ob, axis=0, keepdims=True))
    bsums = jnp.concatenate(sums, axis=0)
    r8 = lax.broadcasted_iota(jnp.int32, (NT, NT), 0)
    c8 = lax.broadcasted_iota(jnp.int32, (NT, NT), 1)
    tril8 = (c8 < r8).astype(jnp.float32)
    bpref = jnp.dot(tril8, bsums, preferred_element_type=jnp.float32)
    rank = jnp.concatenate(
        [blocks[b] + bpref[b:b + 1, :] for b in range(NT)], axis=0)

    counts = jnp.sum(bsums, axis=0, keepdims=True)
    zero1 = jnp.zeros((1, 1), jnp.float32)
    off = jnp.concatenate([zero1, counts[:, :E - 1]], axis=1)
    off = off + jnp.concatenate(
        [jnp.zeros((1, 1), jnp.float32), off[:, :E - 1]], axis=1)
    off = off + jnp.concatenate(
        [jnp.zeros((1, 2), jnp.float32), off[:, :E - 2]], axis=1)
    off = off + jnp.concatenate(
        [jnp.zeros((1, 4), jnp.float32), off[:, :E - 4]], axis=1)

    pos = jnp.sum((rank + off) * oh, axis=1, keepdims=True)
    perm_ref[...] = pos.astype(jnp.int32)

    ci = counts.astype(jnp.int32)
    offi = off.astype(jnp.int32)
    off9 = jnp.concatenate(
        [offi, jnp.full((1, 1), T, jnp.int32)], axis=1)
    t_lo = offi // KS
    t_hi = (jnp.maximum(off9[:, 1:], 1) - 1) // KS
    num = jnp.where(ci > 0, t_hi - t_lo + 1, 0)
    z1 = jnp.zeros((1, 1), jnp.int32)
    start = jnp.concatenate([z1, num[:, :E - 1]], axis=1)
    start = start + jnp.concatenate([z1, start[:, :E - 1]], axis=1)
    start = start + jnp.concatenate(
        [jnp.zeros((1, 2), jnp.int32), start[:, :E - 2]], axis=1)
    start = start + jnp.concatenate(
        [jnp.zeros((1, 4), jnp.int32), start[:, :E - 4]], axis=1)
    total = start[:, E - 1:E] + num[:, E - 1:E]
    start9 = jnp.concatenate([start, total], axis=1)

    wv = lax.broadcasted_iota(jnp.int32, (NG, 1), 0)
    w_eff = jnp.minimum(wv, total - 1)
    cmp = (start9 <= w_eff).astype(jnp.int32)
    e_of = jnp.sum(cmp, axis=1, keepdims=True) - 1
    ohw = lax.broadcasted_iota(jnp.int32, (1, E), 1) == e_of
    t_lo_sel = jnp.sum(jnp.where(ohw, t_lo, 0), axis=1, keepdims=True)
    st_sel = jnp.sum(jnp.where(ohw, start, 0), axis=1, keepdims=True)
    t_of = t_lo_sel + (w_eff - st_sel)
    prev = jnp.concatenate(
        [jnp.full((1, 1), -1, jnp.int32), t_of[:NG - 1, :]], axis=0)
    first = (t_of != prev).astype(jnp.int32)
    prev_e = jnp.concatenate(
        [jnp.full((1, 1), -1, jnp.int32), e_of[:NG - 1, :]], axis=0)
    fe = (e_of != prev_e).astype(jnp.int32)

    tm_ref[...] = t_of
    em_ref[...] = e_of
    fm_ref[...] = first
    fe_ref[...] = fe
    off9_ref[...] = off9


def _routing(x2, wg):
    return pl.pallas_call(
        _routing_kernel,
        in_specs=[
            pl.BlockSpec((T, D), lambda: (0, 0)),
            pl.BlockSpec((E, D), lambda: (0, 0)),
        ],
        out_specs=[
            pl.BlockSpec((T, 1), lambda: (0, 0)),
            pl.BlockSpec((T, 1), lambda: (0, 0)),
            pl.BlockSpec((T, D // 2), lambda: (0, 0)),
            pl.BlockSpec((NG, 1), lambda: (0, 0)),
            pl.BlockSpec((NG, 1), lambda: (0, 0)),
            pl.BlockSpec((NG, 1), lambda: (0, 0)),
            pl.BlockSpec((NG, 1), lambda: (0, 0)),
            pl.BlockSpec((1, E + 1), lambda: (0, 0)),
        ],
        out_shape=[
            jax.ShapeDtypeStruct((T, 1), jnp.int32),
            jax.ShapeDtypeStruct((T, 1), jnp.float32),
            jax.ShapeDtypeStruct((T, D // 2), jnp.int32),
            jax.ShapeDtypeStruct((NG, 1), jnp.int32),
            jax.ShapeDtypeStruct((NG, 1), jnp.int32),
            jax.ShapeDtypeStruct((NG, 1), jnp.int32),
            jax.ShapeDtypeStruct((NG, 1), jnp.int32),
            jax.ShapeDtypeStruct((1, E + 1), jnp.int32),
        ],
    )(x2, wg)



_sc_mesh = plsc.VectorSubcoreMesh(core_axis_name="c", subcore_axis_name="s")


@functools.partial(
    pl.kernel, mesh=_sc_mesh,
    out_type=jax.ShapeDtypeStruct((T, D // 2), jnp.int32),
    scratch_types=[
        pltpu.VMEM((RPW,), jnp.int32),
        pltpu.VMEM((RPW, D // 2), jnp.int32),
        pltpu.SemaphoreType.DMA,
    ],
)
def _dispatch(x_hbm, p_hbm, xs_hbm, idx_v, rows_v, sem1):
    wid = lax.axis_index("s") * NC + lax.axis_index("c")
    base = wid * RPW
    pltpu.sync_copy(p_hbm.at[pl.ds(base, RPW)], idx_v)
    pltpu.sync_copy(x_hbm.at[pl.ds(base, RPW)], rows_v)
    pltpu.async_copy(rows_v, xs_hbm.at[idx_v], sem1).wait()



def _gmm_kernel(tm, em, fm, om, xs_ref, perm_ref, gate_ref, We_ref, be_ref,
                out_ref, ys_ref):
    w = pl.program_id(0)

    @pl.when(w < NU)
    def _():
        e = em[w, 0]
        t = tm[w, 0]
        rows = t * KS + lax.broadcasted_iota(jnp.int32, (KS, 1), 0)
        mask = (rows >= om[0, e]) & (rows < om[0, e + 1])
        pk = lax.bitcast_convert_type(xs_ref[...], jnp.uint32)
        plo = lax.bitcast_convert_type(
            lax.convert_element_type(pk & 0xFFFF, jnp.uint16), jnp.bfloat16)
        phi = lax.bitcast_convert_type(
            lax.convert_element_type(pk >> 16, jnp.uint16), jnp.bfloat16)
        xf = jnp.concatenate([plo, phi], axis=1)
        acc = jnp.dot(xf, We_ref[0].astype(jnp.bfloat16).T,
                      preferred_element_type=jnp.float32)
        sub = acc + be_ref[0, 0][None, :]

        @pl.when(fm[w, 0] == 1)
        def _():
            ys_ref[pl.ds(t * KS, KS), :] = jnp.where(
                mask, sub, jnp.zeros_like(sub))

        @pl.when(fm[w, 0] == 0)
        def _():
            ys_ref[pl.ds(t * KS, KS), :] = jnp.where(
                mask, sub, ys_ref[pl.ds(t * KS, KS), :])

    @pl.when(w >= NU)
    def _():
        srt = lax.broadcasted_iota(jnp.int32, (1, T), 1)
        pt = (perm_ref[...] == srt).astype(jnp.float32)
        gath = jnp.dot(pt, ys_ref[...], preferred_element_type=jnp.float32)
        out_ref[...] = gath * gate_ref[...]


def _gmm(xs, perm2, gate128, We, be3, tm, em, fm, om):
    itau = lambda w, tm, em, fm, om: (jnp.maximum(w - NU, 0), 0)
    grid_spec = pltpu.PrefetchScalarGridSpec(
        num_scalar_prefetch=4,
        grid=(NG,),
        in_specs=[
            pl.BlockSpec((KS, D // 2), lambda w, tm, em, fm, om: (tm[w, 0], 0)),
            pl.BlockSpec((KS, 1), itau),
            pl.BlockSpec((KS, 1), itau),
            pl.BlockSpec((1, D, D), lambda w, tm, em, fm, om: (em[w, 0], 0, 0)),
            pl.BlockSpec((1, 1, D), lambda w, tm, em, fm, om: (em[w, 0], 0, 0)),
        ],
        out_specs=pl.BlockSpec((KS, D), itau),
        scratch_shapes=[
            pltpu.VMEM((T, D), jnp.float32),
        ],
    )
    return pl.pallas_call(
        _gmm_kernel,
        grid_spec=grid_spec,
        out_shape=jax.ShapeDtypeStruct((T, D), jnp.float32),
        compiler_params=pltpu.CompilerParams(
            dimension_semantics=("arbitrary",)),
    )(tm, em, fm, om, xs, perm2, gate128, We, be3)



def kernel(x, wg, We, be):
    orig_shape = x.shape
    x2 = x.reshape(T, D)

    perm2, gate1, xb, tm, em, fm, fe, off9 = _routing(x2, wg)

    xs = _dispatch(xb, perm2.reshape(T))
    out = _gmm(xs, perm2, gate1, We, be.reshape(E, 1, D), tm, em, fm, off9)
    return out.reshape(orig_shape)

# --- scband reference (transcript-rebuilt; emitter-appended) ---
"""Pipeline reference for scband-moelayer-81990925680835 (READ-ONLY COPY).

The authoritative reference and input builder live on the scoring server;
editing this copy changes nothing except your own understanding.
"""

import jax, jax.numpy as jnp
import numpy as np

E = 8
D = 1024
B = 1
S = 2048


def setup_inputs(seed: int = 0) -> dict:
    key = jax.random.key(seed)
    k1, k2, k3, k4 = jax.random.split(key, 4)
    x = jax.random.normal(k1, (B, S, D), dtype=jnp.float32)
    # Gate: torch.nn.Linear(model_dim, num_global_experts, bias=False) -> weight [E, D]
    wg = jax.random.normal(k2, (E, D), dtype=jnp.float32) * 0.02
    # Experts: E copies of torch.nn.Linear(D, D) -> weights [E, D, D], biases [E, D]
    We = jax.random.normal(k3, (E, D, D), dtype=jnp.float32) * 0.02
    be = jax.random.normal(k4, (E, D), dtype=jnp.float32) * 0.02
    return {"x": x, "wg": wg, "We": We, "be": be}


def reference(x, wg, We, be):
    original_shape = x.shape
    reshaped = x.reshape(-1, x.shape[-1])            # [T, D]
    # TopKGate.forward: logits = x @ wg^T ; gates = softmax(logits, dim=1)
    logits = reshaped @ wg.T                          # [T, E]
    gates = jax.nn.softmax(logits, axis=1)
    # torch.topk(gates, k=1, dim=1)
    gates_mul, assign = jax.lax.top_k(gates, 1)       # [T, 1], [T, 1]
    assign = assign[:, 0]                             # [T]
    T = reshaped.shape[0]
    results = jnp.zeros((T, We.shape[1]), dtype=reshaped.dtype)
    for i in range(E):
        mask = assign == i                            # [T]
        sub = reshaped @ We[i].T + be[i]              # expert i applied densely
        sub = sub * gates_mul                         # scale by top-1 gate value
        results = jnp.where(mask[:, None], sub, results)
    return results.reshape(original_shape)

if __name__ == "__main__":
    import jax
    _d = setup_inputs()
    print(jax.jit(kernel)(*tuple(_d.values())))

</pallas_src>

<mosaic_0001>
#map = affine_map<(d0, d1) -> (0, 0)>
#map1 = affine_map<(d0, d1) -> (0)>
module attributes {stable_mosaic.version = 14 : i64} {
  func.func @_dispatch(%arg0: i32, %arg1: i32, %arg2: memref<2048x512xi32, #tpu.memory_space<hbm>>, %arg3: memref<2048xi32, #tpu.memory_space<hbm>>, %arg4: memref<2048x512xi32, #tpu.memory_space<hbm>>, %arg5: memref<64xi32, #tpu.memory_space<vmem>>, %arg6: memref<64x512xi32, #tpu.memory_space<vmem>>, %arg7: memref<!tpu.dma_semaphore, #tpu.memory_space<semaphore_mem>>) attributes {dimension_semantics = [#tpu.dimension_semantics<core_parallel>, #tpu.dimension_semantics<subcore_parallel>], iteration_bounds = array<i64: 2, 16>, scalar_prefetch = 0 : i64, scratch_operands = 3 : i64, tpu.core_type = #tpu.core_type<sc_vector_subcore>, window_params = [{transform_indices = #map}, {transform_indices = #map1}, {transform_indices = #map}]} {
    %mul3A = arith.constant 2 : i32
    %mul3A_0 = arith.muli %arg1, %mul3A : i32
    %add3A = arith.addi %mul3A_0, %arg0 : i32
    %mul3A_1 = arith.constant 64 : i32
    %mul3A_2 = arith.muli %add3A, %mul3A_1 : i32
    "tpu.region"() ({
      %run_scoped3A = tpu.sem_alloc : memref<!tpu.dma_semaphore, #tpu.memory_space<semaphore_mem>>
      %dma_start3A_7 = tpu.memref_slice %arg3[%mul3A_2] : memref<2048xi32, #tpu.memory_space<hbm>> -> memref<64xi32, #tpu.memory_space<hbm>>
      %dma_start3A_8 = tpu.memref_slice %arg3[%mul3A_2] : memref<2048xi32, #tpu.memory_space<hbm>> -> memref<64xi32, #tpu.memory_space<hbm>>
      tpu.enqueue_dma source(%dma_start3A_8 : memref<64xi32, #tpu.memory_space<hbm>>) target(%arg5 : memref<64xi32, #tpu.memory_space<vmem>>) target_semaphore(%run_scoped3A : memref<!tpu.dma_semaphore, #tpu.memory_space<semaphore_mem>>)
      %dma_wait3A_9 = tpu.memref_slice %arg3[%mul3A_2] : memref<2048xi32, #tpu.memory_space<hbm>> -> memref<64xi32, #tpu.memory_space<hbm>>
      %dma_wait3A_10 = tpu.memref_slice %arg3[%mul3A_2] : memref<2048xi32, #tpu.memory_space<hbm>> -> memref<64xi32, #tpu.memory_space<hbm>>
      tpu.wait_dma2 semaphore(%run_scoped3A : memref<!tpu.dma_semaphore, #tpu.memory_space<semaphore_mem>>) src(%dma_wait3A_10 : memref<64xi32, #tpu.memory_space<hbm>>) dst(%arg5 : memref<64xi32, #tpu.memory_space<vmem>>)
      tpu.yield
    }) : () -> ()
    "tpu.region"() ({
      %run_scoped3A = tpu.sem_alloc : memref<!tpu.dma_semaphore, #tpu.memory_space<semaphore_mem>>
      %dma_start3A_7 = arith.constant 0 : i32
      %dma_start3A_8 = tpu.memref_slice %arg2[%mul3A_2, %dma_start3A_7] : memref<2048x512xi32, #tpu.memory_space<hbm>> -> memref<64x512xi32, #tpu.memory_space<hbm>>
      %dma_start3A_9 = arith.constant 0 : i32
      %dma_start3A_10 = tpu.memref_slice %arg2[%mul3A_2, %dma_start3A_9] : memref<2048x512xi32, #tpu.memory_space<hbm>> -> memref<64x512xi32, #tpu.memory_space<hbm>>
      tpu.enqueue_dma source(%dma_start3A_10 : memref<64x512xi32, #tpu.memory_space<hbm>>) target(%arg6 : memref<64x512xi32, #tpu.memory_space<vmem>>) target_semaphore(%run_scoped3A : memref<!tpu.dma_semaphore, #tpu.memory_space<semaphore_mem>>)
      %dma_wait3A_11 = arith.constant 0 : i32
      %dma_wait3A_12 = tpu.memref_slice %arg2[%mul3A_2, %dma_wait3A_11] : memref<2048x512xi32, #tpu.memory_space<hbm>> -> memref<64x512xi32, #tpu.memory_space<hbm>>
      %dma_wait3A_13 = arith.constant 0 : i32
      %dma_wait3A_14 = tpu.memref_slice %arg2[%mul3A_2, %dma_wait3A_13] : memref<2048x512xi32, #tpu.memory_space<hbm>> -> memref<64x512xi32, #tpu.memory_space<hbm>>
      tpu.wait_dma2 semaphore(%run_scoped3A : memref<!tpu.dma_semaphore, #tpu.memory_space<semaphore_mem>>) src(%dma_wait3A_14 : memref<64x512xi32, #tpu.memory_space<hbm>>) dst(%arg6 : memref<64x512xi32, #tpu.memory_space<vmem>>)
      tpu.yield
    }) : () -> ()
    %dma_start3A = arith.constant 0 : i32
    %dma_start3A_3 = arith.constant 0 : i32
    %dma_start3A_4 = tpu.memref_slice %arg4[%dma_start3A, %dma_start3A_3] : memref<2048x512xi32, #tpu.memory_space<hbm>> -> memref<2048x512xi32, #tpu.memory_space<hbm>>
    tpu.enqueue_indirect_dma source(%arg6 : memref<64x512xi32, #tpu.memory_space<vmem>>) target(%dma_start3A_4 : memref<2048x512xi32, #tpu.memory_space<hbm>>) offsets(%arg5 : memref<64xi32, #tpu.memory_space<vmem>>) semaphore(%arg7 : memref<!tpu.dma_semaphore, #tpu.memory_space<semaphore_mem>>)
    %dma_wait3A = arith.constant 0 : i32
    %dma_wait3A_5 = arith.constant 0 : i32
    %dma_wait3A_6 = tpu.memref_slice %arg4[%dma_wait3A, %dma_wait3A_5] : memref<2048x512xi32, #tpu.memory_space<hbm>> -> memref<2048x512xi32, #tpu.memory_space<hbm>>
    tpu.wait_indirect_dma semaphore(%arg7 : memref<!tpu.dma_semaphore, #tpu.memory_space<semaphore_mem>>) src(%arg6 : memref<64x512xi32, #tpu.memory_space<vmem>>) dst(%dma_wait3A_6 : memref<2048x512xi32, #tpu.memory_space<hbm>>)
    return
  }
}

module attributes {stable_mosaic.version = 14 : i64} {
  func.func @_gmm_kernel(%arg0: i32, %arg1: memref<15x1xi32, #tpu.memory_space<smem>>, %arg2: memref<15x1xi32, #tpu.memory_space<smem>>, %arg3: memref<15x1xi32, #tpu.memory_space<smem>>, %arg4: memref<1x9xi32, #tpu.memory_space<smem>>, %arg5: memref<512x512xi32, #tpu.memory_space<vmem>>, %arg6: memref<512x1xi32, #tpu.memory_space<vmem>>, %arg7: memref<512x1xf32, #tpu.memory_space<vmem>>, %arg8: memref<1x1024x1024xf32, #tpu.memory_space<vmem>>, %arg9: memref<1x1x1024xf32, #tpu.memory_space<vmem>>, %arg10: memref<512x1024xf32, #tpu.memory_space<vmem>>, %arg11: memref<2048x1024xf32, #tpu.memory_space<vmem>>) attributes {dimension_semantics = [#tpu.dimension_semantics<arbitrary>], iteration_bounds = array<i64: 15>, scalar_prefetch = 4 : i64, scratch_operands = 1 : i64, tpu.core_type = #tpu.core_type<tc>, window_params = [{transform_indices = @transform_0, window_bounds = array<i64: 512, 512>}, {transform_indices = @transform_1, window_bounds = array<i64: 512, 1>}, {transform_indices = @transform_2, window_bounds = array<i64: 512, 1>}, {transform_indices = @transform_3, window_bounds = array<i64: 1, 1024, 1024>}, {transform_indices = @transform_4, window_bounds = array<i64: 1, 1, 1024>}, {transform_indices = @transform_5, window_bounds = array<i64: 512, 1024>}]} {
    %lt3A = arith.constant 11 : i32
    %lt3A_0 = arith.cmpi slt, %arg0, %lt3A : i32
    %convert_element_type3A = arith.extui %lt3A_0 : i1 to i32
    %cond3A = arith.constant 0 : i32
    %cond3A_1 = arith.cmpi ne, %convert_element_type3A, %cond3A : i32
    scf.if %cond3A_1 {
      %get3A = arith.index_cast %arg0 : i32 to index
      %get3A_6 = arith.constant 0 : index
      %get3A_7 = memref.load %arg2[%get3A, %get3A_6] : memref<15x1xi32, #tpu.memory_space<smem>>
      %get3A_8 = arith.index_cast %arg0 : i32 to index
      %get3A_9 = arith.constant 0 : index
      %get3A_10 = memref.load %arg1[%get3A_8, %get3A_9] : memref<15x1xi32, #tpu.memory_space<smem>>
      %mul3A = arith.constant 512 : i32
      %mul3A_11 = arith.muli %get3A_10, %mul3A : i32
      %iota3A = tpu.iota {dimensions = array<i32: 0>} : vector<512x1xi32>
      %add3A = vector.broadcast %mul3A_11 : i32 to vector<512x1xi32>
      %add3A_12 = arith.addi %add3A, %iota3A : vector<512x1xi32>
      %get3A_13 = arith.constant 0 : index
      %get3A_14 = arith.index_cast %get3A_7 : i32 to index
      %get3A_15 = memref.load %arg4[%get3A_13, %get3A_14] : memref<1x9xi32, #tpu.memory_space<smem>>
      %ge3A_16 = vector.broadcast %get3A_15 : i32 to vector<512x1xi32>
      %ge3A_17 = arith.cmpi sge, %add3A_12, %ge3A_16 : vector<512x1xi32>
      %add3A_18 = arith.constant 1 : i32
      %add3A_19 = arith.addi %get3A_7, %add3A_18 : i32
      %get3A_20 = arith.constant 0 : index
      %get3A_21 = arith.index_cast %add3A_19 : i32 to index
      %get3A_22 = memref.load %arg4[%get3A_20, %get3A_21] : memref<1x9xi32, #tpu.memory_space<smem>>
      %lt3A_23 = vector.broadcast %get3A_22 : i32 to vector<512x1xi32>
      %lt3A_24 = arith.cmpi slt, %add3A_12, %lt3A_23 : vector<512x1xi32>
      %and3A = arith.andi %ge3A_17, %lt3A_24 : vector<512x1xi1>
      %get3A_25 = arith.constant 0 : index
      %get3A_26 = arith.constant 0 : index
      %get3A_27 = vector.load %arg5[%get3A_25, %get3A_26] : memref<512x512xi32, #tpu.memory_space<vmem>>, vector<512x512xi32>
      %bitcast_convert_type3A = tpu.bitcast %get3A_27 : vector<512x512xi32> -> vector<512x512xi32>
      %and3A_28 = arith.constant 65535 : i32
      %and3A_29 = vector.broadcast %and3A_28 : i32 to vector<512x512xi32>
      %and3A_30 = arith.andi %bitcast_convert_type3A, %and3A_29 : vector<512x512xi32>
      %convert_element_type3A_31 = arith.trunci %and3A_30 : vector<512x512xi32> to vector<512x512xi16>
      %bitcast_convert_type3A_32 = tpu.bitcast %convert_element_type3A_31 : vector<512x512xi16> -> vector<512x512xbf16>
      %shift_right_logical3A = arith.constant 16 : i32
      %shift_right_logical3A_33 = vector.broadcast %shift_right_logical3A : i32 to vector<512x512xi32>
      %shift_right_logical3A_34 = arith.shrui %bitcast_convert_type3A, %shift_right_logical3A_33 : vector<512x512xi32>
      %convert_element_type3A_35 = arith.trunci %shift_right_logical3A_34 : vector<512x512xi32> to vector<512x512xi16>
      %bitcast_convert_type3A_36 = tpu.bitcast %convert_element_type3A_35 : vector<512x512xi16> -> vector<512x512xbf16>
      %concatenate3A = tpu.concatenate %bitcast_convert_type3A_32, %bitcast_convert_type3A_36 in 1 : vector<512x512xbf16>, vector<512x512xbf16> -> vector<512x1024xbf16>
      %get3A_37 = arith.constant 0 : index
      %get3A_38 = arith.constant 0 : index
      %get3A_39 = arith.constant 0 : index
      %get3A_40 = vector.load %arg8[%get3A_37, %get3A_38, %get3A_39] : memref<1x1024x1024xf32, #tpu.memory_space<vmem>>, vector<1x1024x1024xf32>
      %get3A_41 = vector.shape_cast %get3A_40 : vector<1x1024x1024xf32> to vector<1024x1024xf32>
      %convert_element_type3A_42 = arith.truncf %get3A_41 : vector<1024x1024xf32> to vector<1024x1024xbf16>
      %transpose3A = tpu.transpose %convert_element_type3A_42, [1, 0] : vector<1024x1024xbf16> -> vector<1024x1024xbf16>
      %dot_general3A = arith.constant dense<0.000000e+00> : vector<512x1024xf32>
      %dot_general3A_43 = tpu.matmul %concatenate3A, %transpose3A, %dot_general3A {dimension_numbers = #tpu.dot_dimension_numbers<[1], [0], [0], [1], [0, 0, 1, 1], [], []>, transpose_lhs_hint = false} : vector<512x1024xbf16>, vector<1024x1024xbf16>, vector<512x1024xf32> -> vector<512x1024xf32>
      %get3A_44 = arith.constant 0 : index
      %get3A_45 = arith.constant 0 : index
      %get3A_46 = arith.constant 0 : index
      %get3A_47 = vector.load %arg9[%get3A_44, %get3A_45, %get3A_46] : memref<1x1x1024xf32, #tpu.memory_space<vmem>>, vector<1x1x1024xf32>
      %get3A_48 = vector.shape_cast %get3A_47 : vector<1x1x1024xf32> to vector<1024xf32>
      %broadcast_in_dim3A = vector.shape_cast %get3A_48 : vector<1024xf32> to vector<1x1024xf32>
      %add3A_49 = vector.broadcast %broadcast_in_dim3A : vector<1x1024xf32> to vector<512x1024xf32>
      %add3A_50 = arith.addf %dot_general3A_43, %add3A_49 : vector<512x1024xf32>
      %get3A_51 = arith.index_cast %arg0 : i32 to index
      %get3A_52 = arith.constant 0 : index
      %get3A_53 = memref.load %arg3[%get3A_51, %get3A_52] : memref<15x1xi32, #tpu.memory_space<smem>>
      %eq3A = arith.constant 1 : i32
      %eq3A_54 = arith.cmpi eq, %get3A_53, %eq3A : i32
      %convert_element_type3A_55 = arith.extui %eq3A_54 : i1 to i32
      %cond3A_56 = arith.constant 0 : i32
      %cond3A_57 = arith.cmpi ne, %convert_element_type3A_55, %cond3A_56 : i32
      scf.if %cond3A_57 {
        %broadcast_in_dim3A_66 = arith.constant 0.000000e+00 : f32
        %broadcast_in_dim3A_67 = vector.broadcast %broadcast_in_dim3A_66 : f32 to vector<512x1024xf32>
        %broadcast_in_dim3A_68 = vector.shape_cast %and3A : vector<512x1xi1> to vector<512x1xi1>
        %broadcast_in_dim3A_69 = vector.broadcast %broadcast_in_dim3A_68 : vector<512x1xi1> to vector<512x1024xi1>
        %select_n3A = arith.select %broadcast_in_dim3A_69, %add3A_50, %broadcast_in_dim3A_67 : vector<512x1024xi1>, vector<512x1024xf32>
        %mul3A_70 = arith.constant 512 : i32
        %mul3A_71 = arith.muli %get3A_10, %mul3A_70 : i32
        %swap3A = arith.index_cast %mul3A_71 : i32 to index
        %swap3A_72 = arith.constant 0 : index
        %swap3A_73 = vector.load %arg11[%swap3A, %swap3A_72] : memref<2048x1024xf32, #tpu.memory_space<vmem>>, vector<512x1024xf32>
        tpu.vector_store %arg11[%swap3A, %swap3A_72], %select_n3A {strides = array<i32>} : memref<2048x1024xf32, #tpu.memory_space<vmem>>, vector<512x1024xf32>,
      } else {
      }
      %get3A_58 = arith.index_cast %arg0 : i32 to index
      %get3A_59 = arith.constant 0 : index
      %get3A_60 = memref.load %arg3[%get3A_58, %get3A_59] : memref<15x1xi32, #tpu.memory_space<smem>>
      %eq3A_61 = arith.constant 0 : i32
      %eq3A_62 = arith.cmpi eq, %get3A_60, %eq3A_61 : i32
      %convert_element_type3A_63 = arith.extui %eq3A_62 : i1 to i32
      %cond3A_64 = arith.constant 0 : i32
      %cond3A_65 = arith.cmpi ne, %convert_element_type3A_63, %cond3A_64 : i32
      scf.if %cond3A_65 {
        %mul3A_66 = arith.constant 512 : i32
        %mul3A_67 = arith.muli %get3A_10, %mul3A_66 : i32
        %get3A_68 = arith.index_cast %mul3A_67 : i32 to index
        %get3A_69 = arith.constant 0 : index
        %get3A_70 = vector.load %arg11[%get3A_68, %get3A_69] : memref<2048x1024xf32, #tpu.memory_space<vmem>>, vector<512x1024xf32>
        %broadcast_in_dim3A_71 = vector.shape_cast %and3A : vector<512x1xi1> to vector<512x1xi1>
        %broadcast_in_dim3A_72 = vector.broadcast %broadcast_in_dim3A_71 : vector<512x1xi1> to vector<512x1024xi1>
        %select_n3A = arith.select %broadcast_in_dim3A_72, %add3A_50, %get3A_70 : vector<512x1024xi1>, vector<512x1024xf32>
        %mul3A_73 = arith.constant 512 : i32
        %mul3A_74 = arith.muli %get3A_10, %mul3A_73 : i32
        %swap3A = arith.index_cast %mul3A_74 : i32 to index
        %swap3A_75 = arith.constant 0 : index
        %swap3A_76 = vector.load %arg11[%swap3A, %swap3A_75] : memref<2048x1024xf32, #tpu.memory_space<vmem>>, vector<512x1024xf32>
        tpu.vector_store %arg11[%swap3A, %swap3A_75], %select_n3A {strides = array<i32>} : memref<2048x1024xf32, #tpu.memory_space<vmem>>, vector<512x1024xf32>,
      } else {
      }
    } else {
    }
    %ge3A = arith.constant 11 : i32
    %ge3A_2 = arith.cmpi sge, %arg0, %ge3A : i32
    %convert_element_type3A_3 = arith.extui %ge3A_2 : i1 to i32
    %cond3A_4 = arith.constant 0 : i32
    %cond3A_5 = arith.cmpi ne, %convert_element_type3A_3, %cond3A_4 : i32
    scf.if %cond3A_5 {
      %iota3A = tpu.iota {dimensions = array<i32: 1>} : vector<1x2048xi32>
      %get3A = arith.constant 0 : index
      %get3A_6 = arith.constant 0 : index
      %get3A_7 = vector.load %arg6[%get3A, %get3A_6] : memref<512x1xi32, #tpu.memory_space<vmem>>, vector<512x1xi32>
      %eq3A = vector.broadcast %get3A_7 : vector<512x1xi32> to vector<512x2048xi32>
      %eq3A_8 = vector.broadcast %iota3A : vector<1x2048xi32> to vector<512x2048xi32>
      %eq3A_9 = arith.cmpi eq, %eq3A, %eq3A_8 : vector<512x2048xi32>
      %convert_element_type3A_10 = arith.extui %eq3A_9 : vector<512x2048xi1> to vector<512x2048xi32>
      %convert_element_type3A_11 = arith.sitofp %convert_element_type3A_10 : vector<512x2048xi32> to vector<512x2048xf32>
      %get3A_12 = arith.constant 0 : index
      %get3A_13 = arith.constant 0 : index
      %get3A_14 = vector.load %arg11[%get3A_12, %get3A_13] : memref<2048x1024xf32, #tpu.memory_space<vmem>>, vector<2048x1024xf32>
      %dot_general3A = arith.constant dense<0.000000e+00> : vector<512x1024xf32>
      %dot_general3A_15 = tpu.matmul %convert_element_type3A_11, %get3A_14, %dot_general3A {dimension_numbers = #tpu.dot_dimension_numbers<[1], [0], [0], [1], [0, 0, 1, 1], [], []>, transpose_lhs_hint = false} : vector<512x2048xf32>, vector<2048x1024xf32>, vector<512x1024xf32> -> vector<512x1024xf32>
      %get3A_16 = arith.constant 0 : index
      %get3A_17 = arith.constant 0 : index
      %get3A_18 = vector.load %arg7[%get3A_16, %get3A_17] : memref<512x1xf32, #tpu.memory_space<vmem>>, vector<512x1xf32>
      %mul3A = vector.broadcast %get3A_18 : vector<512x1xf32> to vector<512x1024xf32>
      %mul3A_19 = arith.mulf %dot_general3A_15, %mul3A : vector<512x1024xf32>
      %swap3A = arith.constant 0 : index
      %swap3A_20 = arith.constant 0 : index
      %swap3A_21 = vector.load %arg10[%swap3A, %swap3A_20] : memref<512x1024xf32, #tpu.memory_space<vmem>>, vector<512x1024xf32>
      tpu.vector_store %arg10[%swap3A, %swap3A_20], %mul3A_19 {strides = array<i32>} : memref<512x1024xf32, #tpu.memory_space<vmem>>, vector<512x1024xf32>,
    } else {
    }
    return
  }
  func.func @transform_0(%arg0: i32, %arg1: memref<15x1xi32, #tpu.memory_space<smem>>, %arg2: memref<15x1xi32, #tpu.memory_space<smem>>, %arg3: memref<15x1xi32, #tpu.memory_space<smem>>, %arg4: memref<1x9xi32, #tpu.memory_space<smem>>) -> (i32, i32) {
    %get3A = arith.index_cast %arg0 : i32 to index
    %get3A_0 = arith.constant 0 : index
    %get3A_1 = memref.load %arg1[%get3A, %get3A_0] : memref<15x1xi32, #tpu.memory_space<smem>>
    %c0_i32 = arith.constant 0 : i32
    %c0_i32_2 = arith.constant 0 : i32
    return %get3A_1, %c0_i32 : i32, i32
  }
  func.func @transform_1(%arg0: i32, %arg1: memref<15x1xi32, #tpu.memory_space<smem>>, %arg2: memref<15x1xi32, #tpu.memory_space<smem>>, %arg3: memref<15x1xi32, #tpu.memory_space<smem>>, %arg4: memref<1x9xi32, #tpu.memory_space<smem>>) -> (i32, i32) {
    %sub3A = arith.constant 11 : i32
    %sub3A_0 = arith.subi %arg0, %sub3A : i32
    %max3A = arith.constant 0 : i32
    %max3A_1 = arith.maxsi %sub3A_0, %max3A : i32
    %c0_i32 = arith.constant 0 : i32
    %c0_i32_2 = arith.constant 0 : i32
    return %max3A_1, %c0_i32 : i32, i32
  }
  func.func @transform_2(%arg0: i32, %arg1: memref<15x1xi32, #tpu.memory_space<smem>>, %arg2: memref<15x1xi32, #tpu.memory_space<smem>>, %arg3: memref<15x1xi32, #tpu.memory_space<smem>>, %arg4: memref<1x9xi32, #tpu.memory_space<smem>>) -> (i32, i32) {
    %sub3A = arith.constant 11 : i32
    %sub3A_0 = arith.subi %arg0, %sub3A : i32
    %max3A = arith.constant 0 : i32
    %max3A_1 = arith.maxsi %sub3A_0, %max3A : i32
    %c0_i32 = arith.constant 0 : i32
    %c0_i32_2 = arith.constant 0 : i32
    return %max3A_1, %c0_i32 : i32, i32
  }
  func.func @transform_3(%arg0: i32, %arg1: memref<15x1xi32, #tpu.memory_space<smem>>, %arg2: memref<15x1xi32, #tpu.memory_space<smem>>, %arg3: memref<15x1xi32, #tpu.memory_space<smem>>, %arg4: memref<1x9xi32, #tpu.memory_space<smem>>) -> (i32, i32, i32) {
    %get3A = arith.index_cast %arg0 : i32 to index
    %get3A_0 = arith.constant 0 : index
    %get3A_1 = memref.load %arg2[%get3A, %get3A_0] : memref<15x1xi32, #tpu.memory_space<smem>>
    %c0_i32 = arith.constant 0 : i32
    %c0_i32_2 = arith.constant 0 : i32
    %c0_i32_3 = arith.constant 0 : i32
    return %get3A_1, %c0_i32, %c0_i32_2 : i32, i32, i32
  }
  func.func @transform_4(%arg0: i32, %arg1: memref<15x1xi32, #tpu.memory_space<smem>>, %arg2: memref<15x1xi32, #tpu.memory_space<smem>>, %arg3: memref<15x1xi32, #tpu.memory_space<smem>>, %arg4: memref<1x9xi32, #tpu.memory_space<smem>>) -> (i32, i32, i32) {
    %get3A = arith.index_cast %arg0 : i32 to index
    %get3A_0 = arith.constant 0 : index
    %get3A_1 = memref.load %arg2[%get3A, %get3A_0] : memref<15x1xi32, #tpu.memory_space<smem>>
    %c0_i32 = arith.constant 0 : i32
    %c0_i32_2 = arith.constant 0 : i32
    %c0_i32_3 = arith.constant 0 : i32
    return %get3A_1, %c0_i32, %c0_i32_2 : i32, i32, i32
  }
  func.func @transform_5(%arg0: i32, %arg1: memref<15x1xi32, #tpu.memory_space<smem>>, %arg2: memref<15x1xi32, #tpu.memory_space<smem>>, %arg3: memref<15x1xi32, #tpu.memory_space<smem>>, %arg4: memref<1x9xi32, #tpu.memory_space<smem>>) -> (i32, i32) {
    %sub3A = arith.constant 11 : i32
    %sub3A_0 = arith.subi %arg0, %sub3A : i32
    %max3A = arith.constant 0 : i32
    %max3A_1 = arith.maxsi %sub3A_0, %max3A : i32
    %c0_i32 = arith.constant 0 : i32
    %c0_i32_2 = arith.constant 0 : i32
    return %max3A_1, %c0_i32 : i32, i32
  }
}

module attributes {stable_mosaic.version = 14 : i64} {
  func.func @_routing_kernel(%arg0: memref<2048x1024xf32, #tpu.memory_space<vmem>>, %arg1: memref<8x1024xf32, #tpu.memory_space<vmem>>, %arg2: memref<2048x1xi32, #tpu.memory_space<vmem>>, %arg3: memref<2048x1xf32, #tpu.memory_space<vmem>>, %arg4: memref<2048x512xi32, #tpu.memory_space<vmem>>, %arg5: memref<15x1xi32, #tpu.memory_space<vmem>>, %arg6: memref<15x1xi32, #tpu.memory_space<vmem>>, %arg7: memref<15x1xi32, #tpu.memory_space<vmem>>, %arg8: memref<15x1xi32, #tpu.memory_space<vmem>>, %arg9: memref<1x9xi32, #tpu.memory_space<vmem>>) attributes {dimension_semantics = [], scalar_prefetch = 0 : i64, scratch_operands = 0 : i64, tpu.core_type = #tpu.core_type<tc>} {
    %get3A = arith.constant 0 : index
    %get3A_0 = arith.constant 0 : index
    %get3A_1 = vector.load %arg0[%get3A, %get3A_0] : memref<2048x1024xf32, #tpu.memory_space<vmem>>, vector<2048x1024xf32>
    %convert_element_type3A = arith.truncf %get3A_1 : vector<2048x1024xf32> to vector<2048x1024xbf16>
    %slice3A = vector.extract_strided_slice %convert_element_type3A {offsets = [0, 0], sizes = [2048, 512], strides = [1, 1]} : vector<2048x1024xbf16> to vector<2048x512xbf16>
    %bitcast_convert_type3A = tpu.bitcast %slice3A : vector<2048x512xbf16> -> vector<2048x512xi16>
    %convert_element_type3A_2 = arith.extui %bitcast_convert_type3A : vector<2048x512xi16> to vector<2048x512xi32>
    %slice3A_3 = vector.extract_strided_slice %convert_element_type3A {offsets = [0, 512], sizes = [2048, 512], strides = [1, 1]} : vector<2048x1024xbf16> to vector<2048x512xbf16>
    %bitcast_convert_type3A_4 = tpu.bitcast %slice3A_3 : vector<2048x512xbf16> -> vector<2048x512xi16>
    %convert_element_type3A_5 = arith.extui %bitcast_convert_type3A_4 : vector<2048x512xi16> to vector<2048x512xi32>
    %shift_left3A = arith.constant 16 : i32
    %shift_left3A_6 = vector.broadcast %shift_left3A : i32 to vector<2048x512xi32>
    %shift_left3A_7 = arith.shli %convert_element_type3A_5, %shift_left3A_6 : vector<2048x512xi32>
    %or3A = arith.ori %convert_element_type3A_2, %shift_left3A_7 : vector<2048x512xi32>
    %bitcast_convert_type3A_8 = tpu.bitcast %or3A : vector<2048x512xi32> -> vector<2048x512xi32>
    %swap3A = arith.constant 0 : index
    %swap3A_9 = arith.constant 0 : index
    %swap3A_10 = vector.load %arg4[%swap3A, %swap3A_9] : memref<2048x512xi32, #tpu.memory_space<vmem>>, vector<2048x512xi32>
    tpu.vector_store %arg4[%swap3A, %swap3A_9], %bitcast_convert_type3A_8 {strides = array<i32>} : memref<2048x512xi32, #tpu.memory_space<vmem>>, vector<2048x512xi32>,
    %get3A_11 = arith.constant 0 : index
    %get3A_12 = arith.constant 0 : index
    %get3A_13 = vector.load %arg1[%get3A_11, %get3A_12] : memref<8x1024xf32, #tpu.memory_space<vmem>>, vector<8x1024xf32>
    %transpose3A = tpu.transpose %get3A_13, [1, 0] : vector<8x1024xf32> -> vector<1024x8xf32>
    %dot_general3A = arith.constant dense<0.000000e+00> : vector<2048x8xf32>
    %dot_general3A_14 = tpu.matmul %get3A_1, %transpose3A, %dot_general3A {dimension_numbers = #tpu.dot_dimension_numbers<[1], [0], [0], [1], [0, 0, 1, 1], [], []>, transpose_lhs_hint = false} : vector<2048x1024xf32>, vector<1024x8xf32>, vector<2048x8xf32> -> vector<2048x8xf32>
    %reduce_max3A = arith.constant dense<0xFF800000> : vector<2048xf32>
    %reduce_max3A_15 = vector.multi_reduction <maximumf>, %dot_general3A_14, %reduce_max3A [1] : vector<2048x8xf32> to vector<2048xf32>
    %broadcast_in_dim3A = vector.shape_cast %reduce_max3A_15 : vector<2048xf32> to vector<2048x1xf32>
    %sub3A = vector.broadcast %broadcast_in_dim3A : vector<2048x1xf32> to vector<2048x8xf32>
    %sub3A_16 = arith.subf %dot_general3A_14, %sub3A : vector<2048x8xf32>
    %exp3A = math.exp %sub3A_16 : vector<2048x8xf32>
    %reduce_sum3A = arith.constant dense<0.000000e+00> : vector<2048xf32>
    %reduce_sum3A_17 = vector.multi_reduction <add>, %exp3A, %reduce_sum3A [1] : vector<2048x8xf32> to vector<2048xf32>
    %broadcast_in_dim3A_18 = vector.shape_cast %reduce_sum3A_17 : vector<2048xf32> to vector<2048x1xf32>
    %div3A = vector.broadcast %broadcast_in_dim3A_18 : vector<2048x1xf32> to vector<2048x8xf32>
    %div3A_19 = arith.divf %exp3A, %div3A : vector<2048x8xf32>
    %argmax3A = tpu.reduce_index %div3A_19 {axis = 1 : i32, kind = #tpu.reduction_kind<arg_max>} : vector<2048x8xf32> -> vector<2048xi32>
    %broadcast_in_dim3A_20 = vector.shape_cast %argmax3A : vector<2048xi32> to vector<2048x1xi32>
    %reduce_max3A_21 = arith.constant dense<0xFF800000> : vector<2048xf32>
    %reduce_max3A_22 = vector.multi_reduction <maximumf>, %div3A_19, %reduce_max3A_21 [1] : vector<2048x8xf32> to vector<2048xf32>
    %broadcast_in_dim3A_23 = vector.shape_cast %reduce_max3A_22 : vector<2048xf32> to vector<2048x1xf32>
    %swap3A_24 = arith.constant 0 : index
    %swap3A_25 = arith.constant 0 : index
    %swap3A_26 = vector.load %arg3[%swap3A_24, %swap3A_25] : memref<2048x1xf32, #tpu.memory_space<vmem>>, vector<2048x1xf32>
    tpu.vector_store %arg3[%swap3A_24, %swap3A_25], %broadcast_in_dim3A_23 {strides = array<i32>} : memref<2048x1xf32, #tpu.memory_space<vmem>>, vector<2048x1xf32>,
    %iota3A = tpu.iota {dimensions = array<i32: 1>} : vector<1x8xi32>
    %eq3A = vector.broadcast %broadcast_in_dim3A_20 : vector<2048x1xi32> to vector<2048x8xi32>
    %eq3A_27 = vector.broadcast %iota3A : vector<1x8xi32> to vector<2048x8xi32>
    %eq3A_28 = arith.cmpi eq, %eq3A, %eq3A_27 : vector<2048x8xi32>
    %convert_element_type3A_29 = arith.extui %eq3A_28 : vector<2048x8xi1> to vector<2048x8xi32>
    %convert_element_type3A_30 = arith.sitofp %convert_element_type3A_29 : vector<2048x8xi32> to vector<2048x8xf32>
    %iota3A_31 = tpu.iota {dimensions = array<i32: 0>} : vector<256x256xi32>
    %iota3A_32 = tpu.iota {dimensions = array<i32: 1>} : vector<256x256xi32>
    %lt3A = arith.cmpi slt, %iota3A_32, %iota3A_31 : vector<256x256xi32>
    %convert_element_type3A_33 = arith.extui %lt3A : vector<256x256xi1> to vector<256x256xi32>
    %convert_element_type3A_34 = arith.sitofp %convert_element_type3A_33 : vector<256x256xi32> to vector<256x256xf32>
    %slice3A_35 = vector.extract_strided_slice %convert_element_type3A_30 {offsets = [0, 0], sizes = [256, 8], strides = [1, 1]} : vector<2048x8xf32> to vector<256x8xf32>
    %dot_general3A_36 = arith.constant dense<0.000000e+00> : vector<256x8xf32>
    %dot_general3A_37 = tpu.matmul %convert_element_type3A_34, %slice3A_35, %dot_general3A_36 {dimension_numbers = #tpu.dot_dimension_numbers<[1], [0], [0], [1], [0, 0, 1, 1], [], []>, transpose_lhs_hint = false} : vector<256x256xf32>, vector<256x8xf32>, vector<256x8xf32> -> vector<256x8xf32>
    %reduce_sum3A_38 = arith.constant dense<0.000000e+00> : vector<8xf32>
    %reduce_sum3A_39 = vector.multi_reduction <add>, %slice3A_35, %reduce_sum3A_38 [0] : vector<256x8xf32> to vector<8xf32>
    %broadcast_in_dim3A_40 = vector.shape_cast %reduce_sum3A_39 : vector<8xf32> to vector<1x8xf32>
    %slice3A_41 = vector.extract_strided_slice %convert_element_type3A_30 {offsets = [256, 0], sizes = [256, 8], strides = [1, 1]} : vector<2048x8xf32> to vector<256x8xf32>
    %dot_general3A_42 = arith.constant dense<0.000000e+00> : vector<256x8xf32>
    %dot_general3A_43 = tpu.matmul %convert_element_type3A_34, %slice3A_41, %dot_general3A_42 {dimension_numbers = #tpu.dot_dimension_numbers<[1], [0], [0], [1], [0, 0, 1, 1], [], []>, transpose_lhs_hint = false} : vector<256x256xf32>, vector<256x8xf32>, vector<256x8xf32> -> vector<256x8xf32>
    %reduce_sum3A_44 = arith.constant dense<0.000000e+00> : vector<8xf32>
    %reduce_sum3A_45 = vector.multi_reduction <add>, %slice3A_41, %reduce_sum3A_44 [0] : vector<256x8xf32> to vector<8xf32>
    %broadcast_in_dim3A_46 = vector.shape_cast %reduce_sum3A_45 : vector<8xf32> to vector<1x8xf32>
    %slice3A_47 = vector.extract_strided_slice %convert_element_type3A_30 {offsets = [512, 0], sizes = [256, 8], strides = [1, 1]} : vector<2048x8xf32> to vector<256x8xf32>
    %dot_general3A_48 = arith.constant dense<0.000000e+00> : vector<256x8xf32>
    %dot_general3A_49 = tpu.matmul %convert_element_type3A_34, %slice3A_47, %dot_general3A_48 {dimension_numbers = #tpu.dot_dimension_numbers<[1], [0], [0], [1], [0, 0, 1, 1], [], []>, transpose_lhs_hint = false} : vector<256x256xf32>, vector<256x8xf32>, vector<256x8xf32> -> vector<256x8xf32>
    %reduce_sum3A_50 = arith.constant dense<0.000000e+00> : vector<8xf32>
    %reduce_sum3A_51 = vector.multi_reduction <add>, %slice3A_47, %reduce_sum3A_50 [0] : vector<256x8xf32> to vector<8xf32>
    %broadcast_in_dim3A_52 = vector.shape_cast %reduce_sum3A_51 : vector<8xf32> to vector<1x8xf32>
    %slice3A_53 = vector.extract_strided_slice %convert_element_type3A_30 {offsets = [768, 0], sizes = [256, 8], strides = [1, 1]} : vector<2048x8xf32> to vector<256x8xf32>
    %dot_general3A_54 = arith.constant dense<0.000000e+00> : vector<256x8xf32>
    %dot_general3A_55 = tpu.matmul %convert_element_type3A_34, %slice3A_53, %dot_general3A_54 {dimension_numbers = #tpu.dot_dimension_numbers<[1], [0], [0], [1], [0, 0, 1, 1], [], []>, transpose_lhs_hint = false} : vector<256x256xf32>, vector<256x8xf32>, vector<256x8xf32> -> vector<256x8xf32>
    %reduce_sum3A_56 = arith.constant dense<0.000000e+00> : vector<8xf32>
    %reduce_sum3A_57 = vector.multi_reduction <add>, %slice3A_53, %reduce_sum3A_56 [0] : vector<256x8xf32> to vector<8xf32>
    %broadcast_in_dim3A_58 = vector.shape_cast %reduce_sum3A_57 : vector<8xf32> to vector<1x8xf32>
    %slice3A_59 = vector.extract_strided_slice %convert_element_type3A_30 {offsets = [1024, 0], sizes = [256, 8], strides = [1, 1]} : vector<2048x8xf32> to vector<256x8xf32>
    %dot_general3A_60 = arith.constant dense<0.000000e+00> : vector<256x8xf32>
    %dot_general3A_61 = tpu.matmul %convert_element_type3A_34, %slice3A_59, %dot_general3A_60 {dimension_numbers = #tpu.dot_dimension_numbers<[1], [0], [0], [1], [0, 0, 1, 1], [], []>, transpose_lhs_hint = false} : vector<256x256xf32>, vector<256x8xf32>, vector<256x8xf32> -> vector<256x8xf32>
    %reduce_sum3A_62 = arith.constant dense<0.000000e+00> : vector<8xf32>
    %reduce_sum3A_63 = vector.multi_reduction <add>, %slice3A_59, %reduce_sum3A_62 [0] : vector<256x8xf32> to vector<8xf32>
    %broadcast_in_dim3A_64 = vector.shape_cast %reduce_sum3A_63 : vector<8xf32> to vector<1x8xf32>
    %slice3A_65 = vector.extract_strided_slice %convert_element_type3A_30 {offsets = [1280, 0], sizes = [256, 8], strides = [1, 1]} : vector<2048x8xf32> to vector<256x8xf32>
    %dot_general3A_66 = arith.constant dense<0.000000e+00> : vector<256x8xf32>
    %dot_general3A_67 = tpu.matmul %convert_element_type3A_34, %slice3A_65, %dot_general3A_66 {dimension_numbers = #tpu.dot_dimension_numbers<[1], [0], [0], [1], [0, 0, 1, 1], [], []>, transpose_lhs_hint = false} : vector<256x256xf32>, vector<256x8xf32>, vector<256x8xf32> -> vector<256x8xf32>
    %reduce_sum3A_68 = arith.constant dense<0.000000e+00> : vector<8xf32>
    %reduce_sum3A_69 = vector.multi_reduction <add>, %slice3A_65, %reduce_sum3A_68 [0] : vector<256x8xf32> to vector<8xf32>
    %broadcast_in_dim3A_70 = vector.shape_cast %reduce_sum3A_69 : vector<8xf32> to vector<1x8xf32>
    %slice3A_71 = vector.extract_strided_slice %convert_element_type3A_30 {offsets = [1536, 0], sizes = [256, 8], strides = [1, 1]} : vector<2048x8xf32> to vector<256x8xf32>
    %dot_general3A_72 = arith.constant dense<0.000000e+00> : vector<256x8xf32>
    %dot_general3A_73 = tpu.matmul %convert_element_type3A_34, %slice3A_71, %dot_general3A_72 {dimension_numbers = #tpu.dot_dimension_numbers<[1], [0], [0], [1], [0, 0, 1, 1], [], []>, transpose_lhs_hint = false} : vector<256x256xf32>, vector<256x8xf32>, vector<256x8xf32> -> vector<256x8xf32>
    %reduce_sum3A_74 = arith.constant dense<0.000000e+00> : vector<8xf32>
    %reduce_sum3A_75 = vector.multi_reduction <add>, %slice3A_71, %reduce_sum3A_74 [0] : vector<256x8xf32> to vector<8xf32>
    %broadcast_in_dim3A_76 = vector.shape_cast %reduce_sum3A_75 : vector<8xf32> to vector<1x8xf32>
    %slice3A_77 = vector.extract_strided_slice %convert_element_type3A_30 {offsets = [1792, 0], sizes = [256, 8], strides = [1, 1]} : vector<2048x8xf32> to vector<256x8xf32>
    %dot_general3A_78 = arith.constant dense<0.000000e+00> : vector<256x8xf32>
    %dot_general3A_79 = tpu.matmul %convert_element_type3A_34, %slice3A_77, %dot_general3A_78 {dimension_numbers = #tpu.dot_dimension_numbers<[1], [0], [0], [1], [0, 0, 1, 1], [], []>, transpose_lhs_hint = false} : vector<256x256xf32>, vector<256x8xf32>, vector<256x8xf32> -> vector<256x8xf32>
    %reduce_sum3A_80 = arith.constant dense<0.000000e+00> : vector<8xf32>
    %reduce_sum3A_81 = vector.multi_reduction <add>, %slice3A_77, %reduce_sum3A_80 [0] : vector<256x8xf32> to vector<8xf32>
    %broadcast_in_dim3A_82 = vector.shape_cast %reduce_sum3A_81 : vector<8xf32> to vector<1x8xf32>
    %concatenate3A = tpu.concatenate %broadcast_in_dim3A_40, %broadcast_in_dim3A_46, %broadcast_in_dim3A_52, %broadcast_in_dim3A_58, %broadcast_in_dim3A_64, %broadcast_in_dim3A_70, %broadcast_in_dim3A_76, %broadcast_in_dim3A_82 in 0 : vector<1x8xf32>, vector<1x8xf32>, vector<1x8xf32>, vector<1x8xf32>, vector<1x8xf32>, vector<1x8xf32>, vector<1x8xf32>, vector<1x8xf32> -> vector<8x8xf32>
    %iota3A_83 = tpu.iota {dimensions = array<i32: 0>} : vector<8x8xi32>
    %iota3A_84 = tpu.iota {dimensions = array<i32: 1>} : vector<8x8xi32>
    %lt3A_85 = arith.cmpi slt, %iota3A_84, %iota3A_83 : vector<8x8xi32>
    %convert_element_type3A_86 = arith.extui %lt3A_85 : vector<8x8xi1> to vector<8x8xi32>
    %convert_element_type3A_87 = arith.sitofp %convert_element_type3A_86 : vector<8x8xi32> to vector<8x8xf32>
    %dot_general3A_88 = arith.constant dense<0.000000e+00> : vector<8x8xf32>
    %dot_general3A_89 = tpu.matmul %convert_element_type3A_87, %concatenate3A, %dot_general3A_88 {dimension_numbers = #tpu.dot_dimension_numbers<[1], [0], [0], [1], [0, 0, 1, 1], [], []>, transpose_lhs_hint = false} : vector<8x8xf32>, vector<8x8xf32>, vector<8x8xf32> -> vector<8x8xf32>
    %slice3A_90 = vector.extract_strided_slice %dot_general3A_89 {offsets = [0, 0], sizes = [1, 8], strides = [1, 1]} : vector<8x8xf32> to vector<1x8xf32>
    %add3A = vector.broadcast %slice3A_90 : vector<1x8xf32> to vector<256x8xf32>
    %add3A_91 = arith.addf %dot_general3A_37, %add3A : vector<256x8xf32>
    %slice3A_92 = vector.extract_strided_slice %dot_general3A_89 {offsets = [1, 0], sizes = [1, 8], strides = [1, 1]} : vector<8x8xf32> to vector<1x8xf32>
    %add3A_93 = vector.broadcast %slice3A_92 : vector<1x8xf32> to vector<256x8xf32>
    %add3A_94 = arith.addf %dot_general3A_43, %add3A_93 : vector<256x8xf32>
    %slice3A_95 = vector.extract_strided_slice %dot_general3A_89 {offsets = [2, 0], sizes = [1, 8], strides = [1, 1]} : vector<8x8xf32> to vector<1x8xf32>
    %add3A_96 = vector.broadcast %slice3A_95 : vector<1x8xf32> to vector<256x8xf32>
    %add3A_97 = arith.addf %dot_general3A_49, %add3A_96 : vector<256x8xf32>
    %slice3A_98 = vector.extract_strided_slice %dot_general3A_89 {offsets = [3, 0], sizes = [1, 8], strides = [1, 1]} : vector<8x8xf32> to vector<1x8xf32>
    %add3A_99 = vector.broadcast %slice3A_98 : vector<1x8xf32> to vector<256x8xf32>
    %add3A_100 = arith.addf %dot_general3A_55, %add3A_99 : vector<256x8xf32>
    %slice3A_101 = vector.extract_strided_slice %dot_general3A_89 {offsets = [4, 0], sizes = [1, 8], strides = [1, 1]} : vector<8x8xf32> to vector<1x8xf32>
    %add3A_102 = vector.broadcast %slice3A_101 : vector<1x8xf32> to vector<256x8xf32>
    %add3A_103 = arith.addf %dot_general3A_61, %add3A_102 : vector<256x8xf32>
    %slice3A_104 = vector.extract_strided_slice %dot_general3A_89 {offsets = [5, 0], sizes = [1, 8], strides = [1, 1]} : vector<8x8xf32> to vector<1x8xf32>
    %add3A_105 = vector.broadcast %slice3A_104 : vector<1x8xf32> to vector<256x8xf32>
    %add3A_106 = arith.addf %dot_general3A_67, %add3A_105 : vector<256x8xf32>
    %slice3A_107 = vector.extract_strided_slice %dot_general3A_89 {offsets = [6, 0], sizes = [1, 8], strides = [1, 1]} : vector<8x8xf32> to vector<1x8xf32>
    %add3A_108 = vector.broadcast %slice3A_107 : vector<1x8xf32> to vector<256x8xf32>
    %add3A_109 = arith.addf %dot_general3A_73, %add3A_108 : vector<256x8xf32>
    %slice3A_110 = vector.extract_strided_slice %dot_general3A_89 {offsets = [7, 0], sizes = [1, 8], strides = [1, 1]} : vector<8x8xf32> to vector<1x8xf32>
    %add3A_111 = vector.broadcast %slice3A_110 : vector<1x8xf32> to vector<256x8xf32>
    %add3A_112 = arith.addf %dot_general3A_79, %add3A_111 : vector<256x8xf32>
    %concatenate3A_113 = tpu.concatenate %add3A_91, %add3A_94, %add3A_97, %add3A_100, %add3A_103, %add3A_106, %add3A_109, %add3A_112 in 0 : vector<256x8xf32>, vector<256x8xf32>, vector<256x8xf32>, vector<256x8xf32>, vector<256x8xf32>, vector<256x8xf32>, vector<256x8xf32>, vector<256x8xf32> -> vector<2048x8xf32>
    %reduce_sum3A_114 = arith.constant dense<0.000000e+00> : vector<8xf32>
    %reduce_sum3A_115 = vector.multi_reduction <add>, %concatenate3A, %reduce_sum3A_114 [0] : vector<8x8xf32> to vector<8xf32>
    %broadcast_in_dim3A_116 = vector.shape_cast %reduce_sum3A_115 : vector<8xf32> to vector<1x8xf32>
    %broadcast_in_dim3A_117 = arith.constant 0.000000e+00 : f32
    %broadcast_in_dim3A_118 = vector.broadcast %broadcast_in_dim3A_117 : f32 to vector<1x1xf32>
    %slice3A_119 = vector.extract_strided_slice %broadcast_in_dim3A_116 {offsets = [0, 0], sizes = [1, 7], strides = [1, 1]} : vector<1x8xf32> to vector<1x7xf32>
    %concatenate3A_120 = tpu.concatenate %broadcast_in_dim3A_118, %slice3A_119 in 1 : vector<1x1xf32>, vector<1x7xf32> -> vector<1x8xf32>
    %broadcast_in_dim3A_121 = arith.constant 0.000000e+00 : f32
    %broadcast_in_dim3A_122 = vector.broadcast %broadcast_in_dim3A_121 : f32 to vector<1x1xf32>
    %slice3A_123 = vector.extract_strided_slice %concatenate3A_120 {offsets = [0, 0], sizes = [1, 7], strides = [1, 1]} : vector<1x8xf32> to vector<1x7xf32>
    %concatenate3A_124 = tpu.concatenate %broadcast_in_dim3A_122, %slice3A_123 in 1 : vector<1x1xf32>, vector<1x7xf32> -> vector<1x8xf32>
    %add3A_125 = arith.addf %concatenate3A_120, %concatenate3A_124 : vector<1x8xf32>
    %broadcast_in_dim3A_126 = arith.constant 0.000000e+00 : f32
    %broadcast_in_dim3A_127 = vector.broadcast %broadcast_in_dim3A_126 : f32 to vector<1x2xf32>
    %slice3A_128 = vector.extract_strided_slice %add3A_125 {offsets = [0, 0], sizes = [1, 6], strides = [1, 1]} : vector<1x8xf32> to vector<1x6xf32>
    %concatenate3A_129 = tpu.concatenate %broadcast_in_dim3A_127, %slice3A_128 in 1 : vector<1x2xf32>, vector<1x6xf32> -> vector<1x8xf32>
    %add3A_130 = arith.addf %add3A_125, %concatenate3A_129 : vector<1x8xf32>
    %broadcast_in_dim3A_131 = arith.constant 0.000000e+00 : f32
    %broadcast_in_dim3A_132 = vector.broadcast %broadcast_in_dim3A_131 : f32 to vector<1x4xf32>
    %slice3A_133 = vector.extract_strided_slice %add3A_130 {offsets = [0, 0], sizes = [1, 4], strides = [1, 1]} : vector<1x8xf32> to vector<1x4xf32>
    %concatenate3A_134 = tpu.concatenate %broadcast_in_dim3A_132, %slice3A_133 in 1 : vector<1x4xf32>, vector<1x4xf32> -> vector<1x8xf32>
    %add3A_135 = arith.addf %add3A_130, %concatenate3A_134 : vector<1x8xf32>
    %add3A_136 = vector.broadcast %add3A_135 : vector<1x8xf32> to vector<2048x8xf32>
    %add3A_137 = arith.addf %concatenate3A_113, %add3A_136 : vector<2048x8xf32>
    %mul3A = arith.mulf %add3A_137, %convert_element_type3A_30 : vector<2048x8xf32>
    %reduce_sum3A_138 = arith.constant dense<0.000000e+00> : vector<2048xf32>
    %reduce_sum3A_139 = vector.multi_reduction <add>, %mul3A, %reduce_sum3A_138 [1] : vector<2048x8xf32> to vector<2048xf32>
    %broadcast_in_dim3A_140 = vector.shape_cast %reduce_sum3A_139 : vector<2048xf32> to vector<2048x1xf32>
    %convert_element_type3A_141 = arith.fptosi %broadcast_in_dim3A_140 : vector<2048x1xf32> to vector<2048x1xi32>
    %swap3A_142 = arith.constant 0 : index
    %swap3A_143 = arith.constant 0 : index
    %swap3A_144 = vector.load %arg2[%swap3A_142, %swap3A_143] : memref<2048x1xi32, #tpu.memory_space<vmem>>, vector<2048x1xi32>
    tpu.vector_store %arg2[%swap3A_142, %swap3A_143], %convert_element_type3A_141 {strides = array<i32>} : memref<2048x1xi32, #tpu.memory_space<vmem>>, vector<2048x1xi32>,
    %convert_element_type3A_145 = arith.fptosi %broadcast_in_dim3A_116 : vector<1x8xf32> to vector<1x8xi32>
    %convert_element_type3A_146 = arith.fptosi %add3A_135 : vector<1x8xf32> to vector<1x8xi32>
    %broadcast_in_dim3A_147 = arith.constant 2048 : i32
    %broadcast_in_dim3A_148 = vector.broadcast %broadcast_in_dim3A_147 : i32 to vector<1x1xi32>
    %concatenate3A_149 = tpu.concatenate %convert_element_type3A_146, %broadcast_in_dim3A_148 in 1 : vector<1x8xi32>, vector<1x1xi32> -> vector<1x9xi32>
    %jit3A = arith.constant 512 : i32
    %div3A_150 = vector.broadcast %jit3A : i32 to vector<1x8xi32>
    %div3A_151 = arith.divsi %convert_element_type3A_146, %div3A_150 : vector<1x8xi32>
    %sign3A = arith.constant 0 : i32
    %sign3A_152 = vector.broadcast %sign3A : i32 to vector<1x8xi32>
    %sign3A_153 = arith.cmpi sgt, %convert_element_type3A_146, %sign3A_152 : vector<1x8xi32>
    %sign3A_154 = arith.extui %sign3A_153 : vector<1x8xi1> to vector<1x8xi32>
    %sign3A_155 = arith.constant 0 : i32
    %sign3A_156 = vector.broadcast %sign3A_155 : i32 to vector<1x8xi32>
    %sign3A_157 = arith.cmpi slt, %convert_element_type3A_146, %sign3A_156 : vector<1x8xi32>
    %sign3A_158 = arith.extui %sign3A_157 : vector<1x8xi1> to vector<1x8xi32>
    %sign3A_159 = arith.subi %sign3A_154, %sign3A_158 : vector<1x8xi32>
    %sign3A_160 = arith.constant 0 : i32
    %sign3A_161 = arith.cmpi sgt, %jit3A, %sign3A_160 : i32
    %sign3A_162 = arith.extui %sign3A_161 : i1 to i32
    %sign3A_163 = arith.constant 0 : i32
    %sign3A_164 = arith.cmpi slt, %jit3A, %sign3A_163 : i32
    %sign3A_165 = arith.extui %sign3A_164 : i1 to i32
    %sign3A_166 = arith.subi %sign3A_162, %sign3A_165 : i32
    %ne3A = vector.broadcast %sign3A_166 : i32 to vector<1x8xi32>
    %ne3A_167 = arith.cmpi ne, %sign3A_159, %ne3A : vector<1x8xi32>
    %rem3A = vector.broadcast %jit3A : i32 to vector<1x8xi32>
    %rem3A_168 = arith.remsi %convert_element_type3A_146, %rem3A : vector<1x8xi32>
    %ne3A_169 = arith.constant 0 : i32
    %ne3A_170 = vector.broadcast %ne3A_169 : i32 to vector<1x8xi32>
    %ne3A_171 = arith.cmpi ne, %rem3A_168, %ne3A_170 : vector<1x8xi32>
    %and3A = arith.andi %ne3A_167, %ne3A_171 : vector<1x8xi1>
    %sub3A_172 = arith.constant 1 : i32
    %sub3A_173 = vector.broadcast %sub3A_172 : i32 to vector<1x8xi32>
    %sub3A_174 = arith.subi %div3A_151, %sub3A_173 : vector<1x8xi32>
    %select_n3A = arith.select %and3A, %sub3A_174, %div3A_151 : vector<1x8xi1>, vector<1x8xi32>
    %slice3A_175 = vector.extract_strided_slice %concatenate3A_149 {offsets = [0, 1], sizes = [1, 8], strides = [1, 1]} : vector<1x9xi32> to vector<1x8xi32>
    %max3A = arith.constant 1 : i32
    %max3A_176 = vector.broadcast %max3A : i32 to vector<1x8xi32>
    %max3A_177 = arith.maxsi %slice3A_175, %max3A_176 : vector<1x8xi32>
    %sub3A_178 = arith.constant 1 : i32
    %sub3A_179 = vector.broadcast %sub3A_178 : i32 to vector<1x8xi32>
    %sub3A_180 = arith.subi %max3A_177, %sub3A_179 : vector<1x8xi32>
    %jit3A_181 = arith.constant 512 : i32
    %div3A_182 = vector.broadcast %jit3A_181 : i32 to vector<1x8xi32>
    %div3A_183 = arith.divsi %sub3A_180, %div3A_182 : vector<1x8xi32>
    %sign3A_184 = arith.constant 0 : i32
    %sign3A_185 = vector.broadcast %sign3A_184 : i32 to vector<1x8xi32>
    %sign3A_186 = arith.cmpi sgt, %sub3A_180, %sign3A_185 : vector<1x8xi32>
    %sign3A_187 = arith.extui %sign3A_186 : vector<1x8xi1> to vector<1x8xi32>
    %sign3A_188 = arith.constant 0 : i32
    %sign3A_189 = vector.broadcast %sign3A_188 : i32 to vector<1x8xi32>
    %sign3A_190 = arith.cmpi slt, %sub3A_180, %sign3A_189 : vector<1x8xi32>
    %sign3A_191 = arith.extui %sign3A_190 : vector<1x8xi1> to vector<1x8xi32>
    %sign3A_192 = arith.subi %sign3A_187, %sign3A_191 : vector<1x8xi32>
    %sign3A_193 = arith.constant 0 : i32
    %sign3A_194 = arith.cmpi sgt, %jit3A_181, %sign3A_193 : i32
    %sign3A_195 = arith.extui %sign3A_194 : i1 to i32
    %sign3A_196 = arith.constant 0 : i32
    %sign3A_197 = arith.cmpi slt, %jit3A_181, %sign3A_196 : i32
    %sign3A_198 = arith.extui %sign3A_197 : i1 to i32
    %sign3A_199 = arith.subi %sign3A_195, %sign3A_198 : i32
    %ne3A_200 = vector.broadcast %sign3A_199 : i32 to vector<1x8xi32>
    %ne3A_201 = arith.cmpi ne, %sign3A_192, %ne3A_200 : vector<1x8xi32>
    %rem3A_202 = vector.broadcast %jit3A_181 : i32 to vector<1x8xi32>
    %rem3A_203 = arith.remsi %sub3A_180, %rem3A_202 : vector<1x8xi32>
    %ne3A_204 = arith.constant 0 : i32
    %ne3A_205 = vector.broadcast %ne3A_204 : i32 to vector<1x8xi32>
    %ne3A_206 = arith.cmpi ne, %rem3A_203, %ne3A_205 : vector<1x8xi32>
    %and3A_207 = arith.andi %ne3A_201, %ne3A_206 : vector<1x8xi1>
    %sub3A_208 = arith.constant 1 : i32
    %sub3A_209 = vector.broadcast %sub3A_208 : i32 to vector<1x8xi32>
    %sub3A_210 = arith.subi %div3A_183, %sub3A_209 : vector<1x8xi32>
    %select_n3A_211 = arith.select %and3A_207, %sub3A_210, %div3A_183 : vector<1x8xi1>, vector<1x8xi32>
    %gt3A = arith.constant 0 : i32
    %gt3A_212 = vector.broadcast %gt3A : i32 to vector<1x8xi32>
    %gt3A_213 = arith.cmpi sgt, %convert_element_type3A_145, %gt3A_212 : vector<1x8xi32>
    %sub3A_214 = arith.subi %select_n3A_211, %select_n3A : vector<1x8xi32>
    %add3A_215 = arith.constant 1 : i32
    %add3A_216 = vector.broadcast %add3A_215 : i32 to vector<1x8xi32>
    %add3A_217 = arith.addi %sub3A_214, %add3A_216 : vector<1x8xi32>
    %jit3A_218 = arith.constant 0 : i32
    %broadcast_in_dim3A_219 = vector.broadcast %jit3A_218 : i32 to vector<1x8xi32>
    %select_n3A_220 = arith.select %gt3A_213, %add3A_217, %broadcast_in_dim3A_219 : vector<1x8xi1>, vector<1x8xi32>
    %broadcast_in_dim3A_221 = arith.constant 0 : i32
    %broadcast_in_dim3A_222 = vector.broadcast %broadcast_in_dim3A_221 : i32 to vector<1x1xi32>
    %slice3A_223 = vector.extract_strided_slice %select_n3A_220 {offsets = [0, 0], sizes = [1, 7], strides = [1, 1]} : vector<1x8xi32> to vector<1x7xi32>
    %concatenate3A_224 = tpu.concatenate %broadcast_in_dim3A_222, %slice3A_223 in 1 : vector<1x1xi32>, vector<1x7xi32> -> vector<1x8xi32>
    %slice3A_225 = vector.extract_strided_slice %concatenate3A_224 {offsets = [0, 0], sizes = [1, 7], strides = [1, 1]} : vector<1x8xi32> to vector<1x7xi32>
    %concatenate3A_226 = tpu.concatenate %broadcast_in_dim3A_222, %slice3A_225 in 1 : vector<1x1xi32>, vector<1x7xi32> -> vector<1x8xi32>
    %add3A_227 = arith.addi %concatenate3A_224, %concatenate3A_226 : vector<1x8xi32>
    %broadcast_in_dim3A_228 = arith.constant 0 : i32
    %broadcast_in_dim3A_229 = vector.broadcast %broadcast_in_dim3A_228 : i32 to vector<1x2xi32>
    %slice3A_230 = vector.extract_strided_slice %add3A_227 {offsets = [0, 0], sizes = [1, 6], strides = [1, 1]} : vector<1x8xi32> to vector<1x6xi32>
    %concatenate3A_231 = tpu.concatenate %broadcast_in_dim3A_229, %slice3A_230 in 1 : vector<1x2xi32>, vector<1x6xi32> -> vector<1x8xi32>
    %add3A_232 = arith.addi %add3A_227, %concatenate3A_231 : vector<1x8xi32>
    %broadcast_in_dim3A_233 = arith.constant 0 : i32
    %broadcast_in_dim3A_234 = vector.broadcast %broadcast_in_dim3A_233 : i32 to vector<1x4xi32>
    %slice3A_235 = vector.extract_strided_slice %add3A_232 {offsets = [0, 0], sizes = [1, 4], strides = [1, 1]} : vector<1x8xi32> to vector<1x4xi32>
    %concatenate3A_236 = tpu.concatenate %broadcast_in_dim3A_234, %slice3A_235 in 1 : vector<1x4xi32>, vector<1x4xi32> -> vector<1x8xi32>
    %add3A_237 = arith.addi %add3A_232, %concatenate3A_236 : vector<1x8xi32>
    %slice3A_238 = vector.extract_strided_slice %add3A_237 {offsets = [0, 7], sizes = [1, 1], strides = [1, 1]} : vector<1x8xi32> to vector<1x1xi32>
    %slice3A_239 = vector.extract_strided_slice %select_n3A_220 {offsets = [0, 7], sizes = [1, 1], strides = [1, 1]} : vector<1x8xi32> to vector<1x1xi32>
    %add3A_240 = arith.addi %slice3A_238, %slice3A_239 : vector<1x1xi32>
    %concatenate3A_241 = tpu.concatenate %add3A_237, %add3A_240 in 1 : vector<1x8xi32>, vector<1x1xi32> -> vector<1x9xi32>
    %iota3A_242 = tpu.iota {dimensions = array<i32: 0>} : vector<15x1xi32>
    %sub3A_243 = arith.constant 1 : i32
    %sub3A_244 = vector.broadcast %sub3A_243 : i32 to vector<1x1xi32>
    %sub3A_245 = arith.subi %add3A_240, %sub3A_244 : vector<1x1xi32>
    %min3A = vector.broadcast %sub3A_245 : vector<1x1xi32> to vector<15x1xi32>
    %min3A_246 = arith.minsi %iota3A_242, %min3A : vector<15x1xi32>
    %le3A = vector.broadcast %concatenate3A_241 : vector<1x9xi32> to vector<15x9xi32>
    %le3A_247 = vector.broadcast %min3A_246 : vector<15x1xi32> to vector<15x9xi32>
    %le3A_248 = arith.cmpi sle, %le3A, %le3A_247 : vector<15x9xi32>
    %convert_element_type3A_249 = arith.extui %le3A_248 : vector<15x9xi1> to vector<15x9xi32>
    %reduce_sum3A_250 = arith.constant dense<0> : vector<15xi32>
    %reduce_sum3A_251 = vector.multi_reduction <add>, %convert_element_type3A_249, %reduce_sum3A_250 [1] : vector<15x9xi32> to vector<15xi32>
    %broadcast_in_dim3A_252 = vector.shape_cast %reduce_sum3A_251 : vector<15xi32> to vector<15x1xi32>
    %sub3A_253 = arith.constant 1 : i32
    %sub3A_254 = vector.broadcast %sub3A_253 : i32 to vector<15x1xi32>
    %sub3A_255 = arith.subi %broadcast_in_dim3A_252, %sub3A_254 : vector<15x1xi32>
    %iota3A_256 = tpu.iota {dimensions = array<i32: 1>} : vector<1x8xi32>
    %eq3A_257 = vector.broadcast %iota3A_256 : vector<1x8xi32> to vector<15x8xi32>
    %eq3A_258 = vector.broadcast %sub3A_255 : vector<15x1xi32> to vector<15x8xi32>
    %eq3A_259 = arith.cmpi eq, %eq3A_257, %eq3A_258 : vector<15x8xi32>
    %jit3A_260 = arith.constant 0 : i32
    %broadcast_in_dim3A_261 = vector.shape_cast %select_n3A : vector<1x8xi32> to vector<1x8xi32>
    %broadcast_in_dim3A_262 = vector.broadcast %broadcast_in_dim3A_261 : vector<1x8xi32> to vector<15x8xi32>
    %broadcast_in_dim3A_263 = vector.broadcast %jit3A_260 : i32 to vector<15x8xi32>
    %select_n3A_264 = arith.select %eq3A_259, %broadcast_in_dim3A_262, %broadcast_in_dim3A_263 : vector<15x8xi1>, vector<15x8xi32>
    %reduce_sum3A_265 = arith.constant dense<0> : vector<15xi32>
    %reduce_sum3A_266 = vector.multi_reduction <add>, %select_n3A_264, %reduce_sum3A_265 [1] : vector<15x8xi32> to vector<15xi32>
    %broadcast_in_dim3A_267 = vector.shape_cast %reduce_sum3A_266 : vector<15xi32> to vector<15x1xi32>
    %jit3A_268 = arith.constant 0 : i32
    %broadcast_in_dim3A_269 = vector.shape_cast %add3A_237 : vector<1x8xi32> to vector<1x8xi32>
    %broadcast_in_dim3A_270 = vector.broadcast %broadcast_in_dim3A_269 : vector<1x8xi32> to vector<15x8xi32>
    %broadcast_in_dim3A_271 = vector.broadcast %jit3A_268 : i32 to vector<15x8xi32>
    %select_n3A_272 = arith.select %eq3A_259, %broadcast_in_dim3A_270, %broadcast_in_dim3A_271 : vector<15x8xi1>, vector<15x8xi32>
    %reduce_sum3A_273 = arith.constant dense<0> : vector<15xi32>
    %reduce_sum3A_274 = vector.multi_reduction <add>, %select_n3A_272, %reduce_sum3A_273 [1] : vector<15x8xi32> to vector<15xi32>
    %broadcast_in_dim3A_275 = vector.shape_cast %reduce_sum3A_274 : vector<15xi32> to vector<15x1xi32>
    %sub3A_276 = arith.subi %min3A_246, %broadcast_in_dim3A_275 : vector<15x1xi32>
    %add3A_277 = arith.addi %broadcast_in_dim3A_267, %sub3A_276 : vector<15x1xi32>
    %broadcast_in_dim3A_278 = arith.constant -1 : i32
    %broadcast_in_dim3A_279 = vector.broadcast %broadcast_in_dim3A_278 : i32 to vector<1x1xi32>
    %slice3A_280 = vector.extract_strided_slice %add3A_277 {offsets = [0, 0], sizes = [14, 1], strides = [1, 1]} : vector<15x1xi32> to vector<14x1xi32>
    %concatenate3A_281 = tpu.concatenate %broadcast_in_dim3A_279, %slice3A_280 in 0 : vector<1x1xi32>, vector<14x1xi32> -> vector<15x1xi32>
    %ne3A_282 = arith.cmpi ne, %add3A_277, %concatenate3A_281 : vector<15x1xi32>
    %convert_element_type3A_283 = arith.extui %ne3A_282 : vector<15x1xi1> to vector<15x1xi32>
    %broadcast_in_dim3A_284 = arith.constant -1 : i32
    %broadcast_in_dim3A_285 = vector.broadcast %broadcast_in_dim3A_284 : i32 to vector<1x1xi32>
    %slice3A_286 = vector.extract_strided_slice %sub3A_255 {offsets = [0, 0], sizes = [14, 1], strides = [1, 1]} : vector<15x1xi32> to vector<14x1xi32>
    %concatenate3A_287 = tpu.concatenate %broadcast_in_dim3A_285, %slice3A_286 in 0 : vector<1x1xi32>, vector<14x1xi32> -> vector<15x1xi32>
    %ne3A_288 = arith.cmpi ne, %sub3A_255, %concatenate3A_287 : vector<15x1xi32>
    %convert_element_type3A_289 = arith.extui %ne3A_288 : vector<15x1xi1> to vector<15x1xi32>
    %swap3A_290 = arith.constant 0 : index
    %swap3A_291 = arith.constant 0 : index
    %swap3A_292 = vector.load %arg5[%swap3A_290, %swap3A_291] : memref<15x1xi32, #tpu.memory_space<vmem>>, vector<15x1xi32>
    tpu.vector_store %arg5[%swap3A_290, %swap3A_291], %add3A_277 {strides = array<i32>} : memref<15x1xi32, #tpu.memory_space<vmem>>, vector<15x1xi32>,
    %swap3A_293 = arith.constant 0 : index
    %swap3A_294 = arith.constant 0 : index
    %swap3A_295 = vector.load %arg6[%swap3A_293, %swap3A_294] : memref<15x1xi32, #tpu.memory_space<vmem>>, vector<15x1xi32>
    tpu.vector_store %arg6[%swap3A_293, %swap3A_294], %sub3A_255 {strides = array<i32>} : memref<15x1xi32, #tpu.memory_space<vmem>>, vector<15x1xi32>,
    %swap3A_296 = arith.constant 0 : index
    %swap3A_297 = arith.constant 0 : index
    %swap3A_298 = vector.load %arg7[%swap3A_296, %swap3A_297] : memref<15x1xi32, #tpu.memory_space<vmem>>, vector<15x1xi32>
    tpu.vector_store %arg7[%swap3A_296, %swap3A_297], %convert_element_type3A_283 {strides = array<i32>} : memref<15x1xi32, #tpu.memory_space<vmem>>, vector<15x1xi32>,
    %swap3A_299 = arith.constant 0 : index
    %swap3A_300 = arith.constant 0 : index
    %swap3A_301 = vector.load %arg8[%swap3A_299, %swap3A_300] : memref<15x1xi32, #tpu.memory_space<vmem>>, vector<15x1xi32>
    tpu.vector_store %arg8[%swap3A_299, %swap3A_300], %convert_element_type3A_289 {strides = array<i32>} : memref<15x1xi32, #tpu.memory_space<vmem>>, vector<15x1xi32>,
    %swap3A_302 = arith.constant 0 : index
    %swap3A_303 = arith.constant 0 : index
    %swap3A_304 = vector.load %arg9[%swap3A_302, %swap3A_303] : memref<1x9xi32, #tpu.memory_space<vmem>>, vector<1x9xi32>
    tpu.vector_store %arg9[%swap3A_302, %swap3A_303], %concatenate3A_149 {strides = array<i32>} : memref<1x9xi32, #tpu.memory_space<vmem>>, vector<1x9xi32>,
    return
  }
}

</mosaic_0001>

<sc_bundles>
// kernel: kernel.5.cloned.1.call-start
scs
__scs_entry_jumppad:
0x0: {  	(pc) =	sbr.rel $0x88, $3  }
0x1: {  	(tag) =	ssettag $0x0;
	lr =	simm.s32 $0x1  }
0x2: {  	[smem:$0x3F9D] =	sst lr;
	_ =	strace $0xD0000000  }
0x3: {  	_ = 	snop  }
0x4: {  	_ = 	snop  }
0x5: {  	_ = 	snop  }
0x6: {  	_ = 	snop  }
0x7: {  	_ = 	snop  }
__scs_overlays_trampoline_lowered:
0x8: {  	[smem:$0x3FAC] =	sst s0  }
0x9: {  	[smem:$0x3FAD] =	sst s1  }
0xa: {  	[smem:$0x3FAE] =	sst s2  }
0xb: {  	[smem:$0x3FAF] =	sst s3  }
0xc: {  	[smem:$0x3FB0] =	sst s4  }
0xd: {  	[smem:$0x3FB1] =	sst s5  }
0xe: {  	[smem:$0x3FB2] =	sst s6  }
0xf: {  	[smem:$0x3FB3] =	sst s7  }
0x10: {  	[smem:$0x3FB4] =	sst s8  }
0x11: {  	[smem:$0x3FB5] =	sst s9;
	s0 =	simm.s32 @!p0 $0x0  }
0x12: {  	s1 =	sld [smem:$0x3F9B];
	s0 =	simm.s32 @p0 $0x1  }
0x13: {  	[smem:$0x3FB6] =	sst s0;
	s0 =	simm.s32 @!p1 $0x0  }
0x14: {  	s2 =	sld [smem:$0x3F9A];
	s0 =	simm.s32 @p1 $0x1  }
0x15: {  	[smem:$0x3FB7] =	sst s0;
	s0 =	simm.s32 @!p2 $0x0  }
0x16: {  	s3 =	sld [smem:$0x3FDB];
	s0 =	simm.s32 @p2 $0x1  }
0x17: {  	s4 =	simm.s32 $0x1BF5;
	[smem:$0x3FB9] =	sst s0  }
0x18: {  	s0 =	sld [smem:$0x3F9C];
	_ =	swait.ge [sflag:s4], $0x0  }
0x19: {  	s7 =	sld [smem:$0x3F9D]  }
0x1a: {  	s8 =	sadd.s32 $0xFFFFE003, lr  }
0x1b: {  	s9 =	sadd.s32 $0xFFFFFEF7, lr;
	s5 =	simm.s32 $0xFFFFFFFF;
	p2 =	slt.u32 s8, $0xFFFFF086  }
0x1c: {  	p1 =	slt.u32 s9, $0xF7A;
	s5 =	simm.s32 @!p2 $0x0  }
0x1d: {  	s5 =	simm.s32 @p1 $0x1;
	p0 =	seq.s32 s7, s2  }
0x1e: {  	s7 =	smul.u32 @!p0 $0xF7A, s2;
	p2 =	seq.s32 @!p0 s5, $0x0  }
0x1f: {  	s9 =	smul.u32 $0xF7A, s1;
	s8 =	simm.s32 @!p0 $0x1BF5;
	p2 =	por !p2, p0  }
0x20: {  	[sflag:s8] =	ssyncset.s32 @!p0 $0xFFFFF086;
	s6 =	sadd.s32 @!p0 s3, s7;
	s7 =	simm.s32 @!p0 $0x108  }
0x21: {  	s3 =	sadd.s32 s3, s9;
	s6 =	sadd.s32 @!p0 $0x88, s6;
	s7 =	simm.s32 @p2 $0x1082  }
0x22: {  	[simem:s7], [sflag:s8] =	dma.local @!p0 [hbm:s6], $0xF7A  }
0x23: {  	s9 =	sor.u32 $0xD0000000, s2;
	s6 =	simm.s32 $0x108;
	_ =	swait.ge @!p0 [sflag:s8], $0x0  }
0x24: {  	s3 =	sadd.s32 $0x88, s3;
	s6 =	simm.s32 @!p1 $0x1082;
	[sflag:s4] =	ssyncset.s32 $0xFFFFF086  }
0x25: {  	[simem:s6], [sflag:s4] =	dma.local [hbm:s3], $0xF7A  }
0x26: {  	[smem:$0x3F9D] =	sst s1;
	(tag) =	ssettag s2;
	_ =	strace s9  }
0x27: {  	s1 =	sld [smem:$0x3FAD]  }
0x28: {  	s2 =	sld [smem:$0x3FAE]  }
0x29: {  	s4 =	sld [smem:$0x3FB0]  }
0x2a: {  	p0 =	seq.s32 s5, $0x0;
	s5 =	sld [smem:$0x3FB1]  }
0x2b: {  	s6 =	sld [smem:$0x3FB2]  }
0x2c: {  	s7 =	sld [smem:$0x3FB3]  }
0x2d: {  	s3 =	simm.s32 $0x108;
	s8 =	sld [smem:$0x3FB4]  }
0x2e: {  	s3 =	simm.s32 @!p0 $0x1082;
	s9 =	sld [smem:$0x3FB5]  }
0x2f: {  	lr =	sadd.s32 s0, s3;
	s0 =	sld [smem:$0x3FAC]  }
0x30: {  	s3 =	sld [smem:$0x3FAF]  }
0x31: {  	[smem:$0x3FB8] =	sst s10  }
0x32: {  	s10 =	sld [smem:$0x3FB6];
	_ =	sdelay $0x3  }
0x33: {  	p0 =	seq.s32 s10, $0x1;
	s10 =	sld [smem:$0x3FB8];
	_ =	sdelay $0x3  }
0x34: {  	[smem:$0x3FB8] =	sst s10  }
0x35: {  	s10 =	sld [smem:$0x3FB7];
	_ =	sdelay $0x3  }
0x36: {  	p1 =	seq.s32 s10, $0x1;
	s10 =	sld [smem:$0x3FB8];
	_ =	sdelay $0x3  }
0x37: {  	[smem:$0x3FB8] =	sst s10  }
0x38: {  	s10 =	sld [smem:$0x3FB9]  }
0x39: {  	_ = 	snop;
	(pc) =	sbr.ind lr, $3  }
0x3a: {  	_ = 	snop  }
0x3b: {  	_ = 	snop  }
0x3c: {  	p2 =	seq.s32 s10, $0x1;
	s10 =	sld [smem:$0x3FB8]  }
0x3d: {  	_ =	shalt  }
0x3e: {  	_ =	shalt  }
0x3f: {  	_ =	shalt  }
0x40: {  	_ =	shalt  }
0x41: {  	_ =	shalt  }
0x42: {  	_ =	shalt  }
0x43: {  	_ =	shalt  }
0x44: {  	_ =	shalt  }
0x45: {  	_ =	shalt  }
0x46: {  	_ =	shalt  }
0x47: {  	_ =	shalt  }
0x48: {  	_ =	shalt  }
0x49: {  	_ =	shalt  }
0x4a: {  	_ =	shalt  }
0x4b: {  	_ =	shalt  }
0x4c: {  	_ =	shalt  }
0x4d: {  	_ =	shalt  }
0x4e: {  	_ =	shalt  }
0x4f: {  	_ =	shalt  }
0x50: {  	_ =	shalt  }
0x51: {  	_ =	shalt  }
0x52: {  	_ =	shalt  }
0x53: {  	_ =	shalt  }
0x54: {  	_ =	shalt  }
0x55: {  	_ =	shalt  }
0x56: {  	_ =	shalt  }
0x57: {  	_ =	shalt  }
0x58: {  	_ =	shalt  }
0x59: {  	_ =	shalt  }
0x5a: {  	_ =	shalt  }
0x5b: {  	_ =	shalt  }
0x5c: {  	_ =	shalt  }
0x5d: {  	_ =	shalt  }
0x5e: {  	_ =	shalt  }
0x5f: {  	_ =	shalt  }
0x60: {  	_ =	shalt  }
0x61: {  	_ =	shalt  }
0x62: {  	_ =	shalt  }
0x63: {  	_ =	shalt  }
0x64: {  	_ =	shalt  }
0x65: {  	_ =	shalt  }
0x66: {  	_ =	shalt  }
0x67: {  	_ =	shalt  }
0x68: {  	_ =	shalt  }
0x69: {  	_ =	shalt  }
0x6a: {  	_ =	shalt  }
0x6b: {  	_ =	shalt  }
0x6c: {  	_ =	shalt  }
0x6d: {  	_ =	shalt  }
0x6e: {  	_ =	shalt  }
0x6f: {  	_ =	shalt  }
0x70: {  	_ =	shalt  }
0x71: {  	_ =	shalt  }
0x72: {  	_ =	shalt  }
0x73: {  	_ =	shalt  }
0x74: {  	_ =	shalt  }
0x75: {  	_ =	shalt  }
0x76: {  	_ =	shalt  }
0x77: {  	_ =	shalt  }
0x78: {  	_ =	shalt  }
0x79: {  	_ =	shalt  }
0x7a: {  	_ =	shalt  }
0x7b: {  	_ =	shalt  }
0x7c: {  	_ =	shalt  }
0x7d: {  	_ =	shalt  }
0x7e: {  	_ =	shalt  }
0x7f: {  	_ =	shalt  }
0x80: {  	_ =	shalt  }
0x81: {  	_ =	shalt  }
0x82: {  	_ =	shalt  }
0x83: {  	_ =	shalt  }
0x84: {  	_ =	shalt  }
0x85: {  	_ =	shalt  }
0x86: {  	_ =	shalt  }
0x87: {  	_ =	shalt  }
.Lfunc_end0:
.L_simem_size_0:
called_computation_lowered:
.L_overlay_start_0:
0x88: {  	s2 =	sld [smem:$0x3FD9]  }
0x89: {  	s3 =	sld [smem:$0x3FFE];
	_ =	sdelay $0x1  }
0x8a: {  	s1 =	srdreg.scid  }
0x8b: {  	s0 =	sand.u32 $0x1, s1  }
0x8c: {  	s17 =	sshll.u32 s0, $0xA;
	s2 =	sadd.s32 s3, s2  }
0x8d: {  	s2 =	sadd.s32 s2, s17  }
0x8e: {  	[smem:$0x3FC4] =	sst s2  }
0x8f: {  	_ = 	snop  }
0x90: {  	s2 =	sld [smem:$0x3FD0];
	(tm) =	ssettm $0x1  }
0x91: {  	s18 =	sld [smem:$0x3FFB];
	_ =	sdelay $0x3  }
0x92: {  	_ =	strace s18  }
0x93: {  	s3 =	sld [smem:$0x3FFC];
	_ =	sdelay $0x3  }
0x94: {  	_ =	strace s3  }
0x95: {  	s3 =	sld [smem:$0x3FFD];
	_ =	sdelay $0x3  }
0x96: {  	_ =	strace s3  }
0x97: {  	_ =	strace $0x8FFFFFFF  }
0x98: {  	s19 =	sld [smem:$0x3FDB];
	_ =	sdelay $0x1  }
0x99: {  	s4 =	simm.s32 $_scs_section_size  }
0x9a: {  	s5 =	simm.s32 $_size__tile_overlayer_lowered;
	s6 =	simm.s32 $_tile_overlayer_lowered  }
0x9b: {  	s22 =	simm.s32 $0x1BFF;
	s21 =	sshll.u32 s6, $0x1;
	s3 =	sadd.s32 s4, s19  }
0x9c: {  	s7 =	simm.s32 $0x0;
	s20 =	sshll.u32 s5, $0x1;
	s5 =	sadd.s32 s21, s3  }
0x9d: {  	[timem:s7], [sflag:s22] =	dma.local [hbm:s5], s20  }
0x9e: {  	_ =	swait.ge [sflag:s22], s20  }
0x9f: {  	s4 =	ssub.s32 $0x0, s20;
	[sflag:s22] =	ssyncset.done $0x0  }
0xa0: {  	[sflag:s22] =	ssyncadd.s32 s4;
	_ =	sdelay $0x1  }
0xa1: {  	s23 =	simm.s32 $0x1B8B  }
0xa2: {  	_ =	swait.ge [sflag:s23], $0x1  }
0xa3: {  	[sflag:s23] =	ssyncset.done $0x0  }
0xa4: {  	s25 =	simm.s32 $0x1B8E;
	s24 =	sld [smem:$0x3FFE];
	[sflag:s23] =	ssyncadd.s32 $0xFFFFFFFF  }
0xa5: {  	s26 =	simm.s32 $execute0_lowered;
	[smem:$0x3FD2] =	sst s25  }
0xa6: {  	s5 =	sshll.u32 s26, $0x1;
	_ =	strace $0x80000046;
	[dreg:$0x1] =	wrdreg $0xFFFFFFFF  }
0xa7: {  	s28 =	simm.s32 $_size_execute0_lowered;
	s3 =	sadd.s32 s3, s5;
	[dreg:$0x0] =	wrdreg $0x0  }
0xa8: {  	s5 =	sshll.u32 s28, $0x1;
	[dreg:$0x2] =	wrdreg s3  }
0xa9: {  	[dreg:$0x3] =	wrdreg s5  }
0xaa: {  	[dreg:$0x4] =	wrdreg $0xC0  }
0xab: {  	_ =	task [dreg:s7], $0x5FFFF  }
0xac: {  	[dreg:$0x1] =	wrdreg $0xFFFFFFFF  }
0xad: {  	[dreg:$0x0] =	wrdreg $0x60  }
0xae: {  	[dreg:$0x2] =	wrdreg s2  }
0xaf: {  	[dreg:$0x3] =	wrdreg s24  }
0xb0: {  	[dreg:$0x4] =	wrdreg $0x9  }
0xb1: {  	_ =	task.clear_ibuf [dreg:s7], $0x5FFFF;
	_ =	strace $0x90000046  }
0xb2: {  	s29 =	simm.s32 $0x9;
	_ =	strace $0x80000048  }
0xb3: {  	_ =	swait.ge [sflag:s29], $0x1  }
0xb4: {  	[sflag:s29] =	ssyncadd.s32 $0xFFFFFFFF  }
0xb5: {  	_ =	strace $0x90000048  }
0xb6: {  	_ =	sfence  }
0xb7: {  	s30 =	sld [smem:$0x0];
	_ =	sdelay $0x2  }
0xb8: {  	s31 =	sshll.u32 s1, $0xD;
	s1 =	sshrl.u32 s1, $0x2  }
0xb9: {  	s3 =	sand.u32 $0x4000, s31;
	s1 =	sadd.s32 s1, s30  }
0xba: {  	s0 =	sor.u32 s3, s0;
	s1 =	sshll.u32 s1, $0x11  }
0xbb: {  	s0 =	sor.u32 s1, s0  }
0xbc: {  	s0 =	sadd.s32 $0x8F2B, s0  }
0xbd: {  	[sflag:s0] =	ssyncadd.remote.s32 $0x1  }
0xbe: {  	_ =	sfence.sel $0xFFFF  }
0xbf: {  	[dreg:$0x0] =	wrdreg $0xFFFFFFFF;
	(pc) =	sbr.abs _section_cstart, $3  }
0xc0: {  	[dreg:$0x1] =	wrdreg $0xFFFFFFFF  }
0xc1: {  	_ =	task.clear_ibuf [dreg:s7], $0x2FFFF;
	_ =	strace $0x9FFFFFFF  }
0xc2: {  	(tm) =	ssettm $0x7FFFFFFF  }
0xc3: {  	_ =	shalt  }
tec
execute0_lowered:
.L_overlay_start_1:
0x0: {  	(tag) =	ssettag $0x1  }
0x1: {  	s5 =	rddreg [dreg:$0x0]  }
0x2: {  	s6 =	rddreg [dreg:$0x1];
	s2 =	srdreg.scid  }
0x3: {  	s0 =	rddreg [dreg:$0x2];
	s1 =	stileid.u32  }
0x4: {  	s10 =	simm.s32 $0x880;
	s11 =	simm.s32 $0x1080;
	s12 =	simm.s32 $0x1880  }
0x5: {  	s13 =	simm.s32 $0x2080;
	s14 =	simm.s32 $0x2880;
	s15 =	simm.s32 $0x3080  }
0x6: {  	s16 =	simm.s32 $0x3880;
	s17 =	simm.s32 $0x4080;
	s18 =	simm.s32 $0x4880  }
0x7: {  	s19 =	simm.s32 $0x5080;
	s20 =	simm.s32 $0x5880;
	s21 =	simm.s32 $0x6080  }
0x8: {  	s22 =	simm.s32 $0x6880;
	s23 =	simm.s32 $0x7080;
	s24 =	simm.s32 $0x7880  }
0x9: {  	s25 =	simm.s32 $0x1;
	s3 =	sand.u32 $0x1, s2;
	s2 =	simm.s32 $0x0  }
0xa: {  	s4 =	sshll.u32 s1, $0x7;
	s7 =	sshll.u32 s3, $0x6;
	[smem:$0x7FF] =	sst s2  }
0xb: {  	s8 =	ssub.s32 $0x2, s3;
	s3 =	sadd.s32 $0xE00, s6;
	s7 =	sor.u32 s7, s4  }
0xc: {  	_ =	strace $0x80000047;
	s9 =	sshrl.u32 s8, $0x1;
	s4 =	sshrl.u32 s7, $0x3  }
0xd: {  	v2 =	vlaneseq.u32;
	s8 =	ssub.s32 s8, s9;
	s7 =	sshll.u32 s7, $0x6;
	s9 =	simm.s32 $0x80  }
0xe: {  	vm0 =	vmmov $0xffff;
	v1 =	vshrl.u32 v2, $0x3;
	s4 =	sadd.s32 s4, s6;
	s5 =	sadd.s32 s5, s7;
	s6 =	sadd.s32 $0xF00, s6  }
0xf: {  	v0 =	vand.u32 $0x7, v2;
	v2 =	vor.u32 $0x8, v2;
	v1 =	vmul.u32 $0x8, v1;
	s7 =	smax.u32 s8, $0x1;
	s8 =	simm.s32 $0x2;
	s4 =	sadd.s32 $0xC00, s4  }
.LBB2_1:
0x10: {  	[tilespmem:s2], [sflag:$0x2] =	stream.linear.gather [hbm4b:s4+s2], $0x40, $0x38;
	[tilespmem:$0x8080] =	vst v63  }
0x11: {  	_ =	swait.ge [sflag:s8], $0x40  }
0x12: {  	[sflag:s8] =	ssyncset.done $0x0  }
0x13: {  	[sflag:s8] =	ssyncadd.s32 $0xFFFFFFC0  }
0x14: {  	[tilespmem:s9], [sflag:$0x2] =	stream.linear.gather [hbm4b:s5+s2], $0x8000, $0x38;
	[tilespmem:$0x8080] =	vst v63  }
0x15: {  	_ =	swait.ge [sflag:s8], $0x8000  }
0x16: {  	[sflag:s8] =	ssyncset.done $0x0  }
0x17: {  	[sflag:s8] =	ssyncadd.s32 $0xFFFF8000  }
0x18: {  	v3 =	vld [tilespmem:$0x0];
	_ =	sdelay $0x4  }
0x19: {  	v4 =	vshll.u32 v3, $0x2  }
0x1a: {  	v3 =	vand.u32 $0x7, v3;
	v4 =	vand.u32 $0xFFFFFFE0, v4  }
0x1b: {  	v3 =	vor.u32 v3, v4  }
0x1c: {  	v4 =	vperm.xlane v3, v0;
	_ =	sdelay $0x1  }
0x1d: {  	v4 =	vadd.s32 v1, v4;
	_ =	sdelay $0x1  }
0x1e: {  	v3 =	vperm.xlane v3, v2;
	_ =	sdelay $0x1  }
0x1f: {  	v3 =	vadd.s32 v1, v3  }
0x20: {  	[hbm4b:s3+s2] =	stream.indirect_vreg.scatter [tilespmem:s9], [sflag:$0x1], $0x80, v4, vm0, $0xb8;
	[tilespmem:$0x8080] =	vst v63  }
0x21: {  	_ = 	snop  }
0x22: {  	[hbm4b:s6+s2] =	stream.indirect_vreg.scatter [tilespmem:s10], [sflag:$0x1], $0x80, v4, vm0, $0xb8;
	[tilespmem:$0x8080] =	vst v63  }
0x23: {  	_ = 	snop  }
0x24: {  	[hbm4b:s3+s2] =	stream.indirect_vreg.scatter [tilespmem:s11], [sflag:$0x1], $0x80, v3, vm0, $0xb8;
	[tilespmem:$0x8080] =	vst v63  }
0x25: {  	_ = 	snop  }
0x26: {  	[hbm4b:s6+s2] =	stream.indirect_vreg.scatter [tilespmem:s12], [sflag:$0x1], $0x80, v3, vm0, $0xb8;
	[tilespmem:$0x8080] =	vst v63  }
0x27: {  	v3 =	vld [tilespmem:$0x10];
	_ =	sdelay $0x4  }
0x28: {  	v61 =	vshll.u32 v3, $0x2  }
0x29: {  	v3 =	vand.u32 $0x7, v3;
	v4 =	vand.u32 $0xFFFFFFE0, v61  }
0x2a: {  	v3 =	vor.u32 v3, v4  }
0x2b: {  	v4 =	vperm.xlane v3, v0;
	_ =	sdelay $0x1  }
0x2c: {  	v4 =	vadd.s32 v1, v4;
	_ =	sdelay $0x1  }
0x2d: {  	v3 =	vperm.xlane v3, v2;
	_ =	sdelay $0x1  }
0x2e: {  	v3 =	vadd.s32 v1, v3  }
0x2f: {  	[hbm4b:s3+s2] =	stream.indirect_vreg.scatter [tilespmem:s13], [sflag:$0x1], $0x80, v4, vm0, $0xb8;
	[tilespmem:$0x8080] =	vst v63  }
0x30: {  	_ = 	snop  }
0x31: {  	[hbm4b:s6+s2] =	stream.indirect_vreg.scatter [tilespmem:s14], [sflag:$0x1], $0x80, v4, vm0, $0xb8;
	[tilespmem:$0x8080] =	vst v63  }
0x32: {  	_ = 	snop  }
0x33: {  	[hbm4b:s3+s2] =	stream.indirect_vreg.scatter [tilespmem:s15], [sflag:$0x1], $0x80, v3, vm0, $0xb8;
	[tilespmem:$0x8080] =	vst v63  }
0x34: {  	_ = 	snop  }
0x35: {  	[hbm4b:s6+s2] =	stream.indirect_vreg.scatter [tilespmem:s16], [sflag:$0x1], $0x80, v3, vm0, $0xb8;
	[tilespmem:$0x8080] =	vst v63  }
0x36: {  	v3 =	vld [tilespmem:$0x20];
	_ =	sdelay $0x4  }
0x37: {  	v62 =	vshll.u32 v3, $0x2  }
0x38: {  	v3 =	vand.u32 $0x7, v3;
	v4 =	vand.u32 $0xFFFFFFE0, v62  }
0x39: {  	v3 =	vor.u32 v3, v4  }
0x3a: {  	v4 =	vperm.xlane v3, v0;
	_ =	sdelay $0x1  }
0x3b: {  	v4 =	vadd.s32 v1, v4;
	_ =	sdelay $0x1  }
0x3c: {  	v3 =	vperm.xlane v3, v2;
	_ =	sdelay $0x1  }
0x3d: {  	v3 =	vadd.s32 v1, v3  }
0x3e: {  	[hbm4b:s3+s2] =	stream.indirect_vreg.scatter [tilespmem:s17], [sflag:$0x1], $0x80, v4, vm0, $0xb8;
	[tilespmem:$0x8080] =	vst v63  }
0x3f: {  	_ = 	snop  }
0x40: {  	[hbm4b:s6+s2] =	stream.indirect_vreg.scatter [tilespmem:s18], [sflag:$0x1], $0x80, v4, vm0, $0xb8;
	[tilespmem:$0x8080] =	vst v63  }
0x41: {  	_ = 	snop  }
0x42: {  	[hbm4b:s3+s2] =	stream.indirect_vreg.scatter [tilespmem:s19], [sflag:$0x1], $0x80, v3, vm0, $0xb8;
	[tilespmem:$0x8080] =	vst v63  }
0x43: {  	_ = 	snop  }
0x44: {  	[hbm4b:s6+s2] =	stream.indirect_vreg.scatter [tilespmem:s20], [sflag:$0x1], $0x80, v3, vm0, $0xb8;
	[tilespmem:$0x8080] =	vst v63  }
0x45: {  	v3 =	vld [tilespmem:$0x30];
	_ =	sdelay $0x4  }
0x46: {  	v63 =	vshll.u32 v3, $0x2  }
0x47: {  	v3 =	vand.u32 $0x7, v3;
	v4 =	vand.u32 $0xFFFFFFE0, v63  }
0x48: {  	v3 =	vor.u32 v3, v4  }
0x49: {  	v4 =	vperm.xlane v3, v0;
	_ =	sdelay $0x1  }
0x4a: {  	v4 =	vadd.s32 v1, v4;
	_ =	sdelay $0x1  }
0x4b: {  	v3 =	vperm.xlane v3, v2;
	_ =	sdelay $0x1  }
0x4c: {  	v3 =	vadd.s32 v1, v3  }
0x4d: {  	[hbm4b:s3+s2] =	stream.indirect_vreg.scatter [tilespmem:s21], [sflag:$0x1], $0x80, v4, vm0, $0xb8;
	[tilespmem:$0x8080] =	vst v63  }
0x4e: {  	_ = 	snop  }
0x4f: {  	[hbm4b:s6+s2] =	stream.indirect_vreg.scatter [tilespmem:s22], [sflag:$0x1], $0x80, v4, vm0, $0xb8;
	[tilespmem:$0x8080] =	vst v63  }
0x50: {  	p0 =	sne.s32 s7, $0x1  }
0x51: {  	[hbm4b:s3+s2] =	stream.indirect_vreg.scatter [tilespmem:s23], [sflag:$0x1], $0x80, v3, vm0, $0xb8;
	[tilespmem:$0x8080] =	vst v63  }
.Ltmp0:
0x52: {  	_ = 	snop;
	(pc) =	sbr.rel @p0 .LBB2_1-.Ltmp0, $4  }
0x53: {  	[hbm4b:s6+s2] =	stream.indirect_vreg.scatter [tilespmem:s24], [sflag:$0x1], $0x80, v3, vm0, $0xb8;
	[tilespmem:$0x8080] =	vst v63  }
0x54: {  	_ =	swait.ge [sflag:s25], $0x8000  }
0x55: {  	[sflag:s25] =	ssyncset.done $0x0  }
0x56: {  	s7 =	sadd.s32 $0xFFFFFFFF, s7;
	[sflag:s25] =	ssyncadd.s32 $0xFFFF8000  }
0x57: {  	_ =	sfence.sel $0x180000  }
0x58: {  	[bflag:$0x0] =	sbarrier.arrive $0xFFFF  }
0x59: {  	p0 =	sne.s32 s1, $0x0;
	_ =	strace $0x90000047  }
0x5a: {  	s0 =	sadd.s32 @!p0 $0x100000, s0;
	[bflag:$0x2] =	sbarrier.arrive $0xFFFF  }
0x5b: {  	[sflag:s0] =	ssyncadd.tile.s32 @!p0 $0x1;
	_ =	shalt  }
.Lfunc_end2:
_tile_overlayer_lowered:
.L_overlay_start_2:
0x5c: {  	(tag) =	ssettag $0x2  }
0x5d: {  	s0 =	rddreg [dreg:$0x0];
	s2 =	stileid.u32  }
0x5e: {  	s1 =	rddreg [dreg:$0x1];
	p0 =	sne.s32 s2, $0x0  }
0x5f: {  	s3 =	rddreg [dreg:$0x2];
	[bflag:$0x3] =	sbarrier.arrive $0xFFFF;
	s2 =	simm.s32 @!p0 $0x1C02  }
0x60: {  	[timem:s3], [sflag:s2] =	dma.local @!p0 [hbm:s0], s1  }
0x61: {  	s0 =	simm.s32 @!p0 $0x2  }
0x62: {  	_ =	swait.ge @!p0 [sflag:s0], s1  }
0x63: {  	s1 =	ssub.s32 @!p0 $0x0, s1;
	[sflag:s0] =	ssyncset.done @!p0 $0x0  }
0x64: {  	[sflag:s0] =	ssyncadd.s32 @!p0 s1  }
0x65: {  	[bflag:$0x3] =	sbarrier.arrive $0xFFFF  }
0x66: {  	_ =	shalt  }

</sc_bundles>
